<compile_context>
chip_gen: v7x
topology: tpu7x:2x2x1
jax: 0.10.2.dev20260603
libtpu: 0.0.44.dev20260713+nightly
codegen_flags: <defaults>
</compile_context>

<pallas_src>
import functools

import jax
import jax.numpy as jnp
from jax import lax
from jax.experimental import pallas as pl
from jax.experimental.pallas import tpu as pltpu
from jax.experimental.pallas import tpu_sc as plsc

N_CLASS = 8
EPS = 1e-07

NC = 2
NS = 16
L = 16
NW = NC * NS

TOTAL = 2 * 128 * 128 * 128
CHUNK = TOTAL // NW
BLK = 16384
NBLK = CHUNK // BLK
NKEY = N_CLASS * N_CLASS
HBINS = NKEY * L


U = 4


@functools.partial(
    pl.kernel,
    out_type=jax.ShapeDtypeStruct((NW, HBINS), jnp.float32),
    mesh=plsc.VectorSubcoreMesh(core_axis_name="c", subcore_axis_name="s"),
    compiler_params=pltpu.CompilerParams(needs_layout_passes=False),
    scratch_types=[
        pltpu.VMEM((BLK,), jnp.float32),
        pltpu.VMEM((BLK,), jnp.float32),
        pltpu.VMEM((BLK,), jnp.int32),
        pltpu.VMEM((BLK,), jnp.int32),
        pltpu.VMEM((HBINS,), jnp.float32),
        pltpu.SemaphoreType.DMA,
        pltpu.SemaphoreType.DMA,
        pltpu.SemaphoreType.DMA,
        pltpu.SemaphoreType.DMA,
    ],
)
def _sc_joint_hist(src_hbm, tgt_hbm, out_hbm, src_a, src_b, tgt_a, tgt_b,
                   hist_v, sem_sa, sem_sb, sem_ta, sem_tb):
    wid = lax.axis_index("s") * NC + lax.axis_index("c")
    base = wid * CHUNK

    zeros = jnp.zeros((L,), jnp.float32)
    for k in range(NKEY):
        hist_v[pl.ds(k * L, L)] = zeros

    BIAS = jnp.int32(0x4B000000)
    MAGIC = jnp.float32(8388608.0)
    lane_b = lax.iota(jnp.int32, L) - BIAS
    ones = jnp.ones((L,), jnp.float32)

    src_bufs = (src_a, src_b)
    tgt_bufs = (tgt_a, tgt_b)
    src_sems = (sem_sa, sem_sb)
    tgt_sems = (sem_ta, sem_tb)

    def run_block(src_v, tgt_v):
        @plsc.parallel_loop(0, BLK // L, unroll=U)
        def vec_body(i):
            sp = plsc.bitcast(src_v[pl.ds(i * L, L)] * 128.0 + MAGIC,
                              jnp.int32)
            t = tgt_v[pl.ds(i * L, L)]
            idx = sp + (t * L + lane_b)
            plsc.addupdate_scatter(hist_v, [idx], ones)

    def start(blk):
        buf = blk % 2
        off = base + blk * BLK
        cs = pltpu.async_copy(src_hbm.at[pl.ds(off, BLK)], src_bufs[buf],
                              src_sems[buf])
        ct = pltpu.async_copy(tgt_hbm.at[pl.ds(off, BLK)], tgt_bufs[buf],
                              tgt_sems[buf])
        return cs, ct

    pending = start(0)
    for blk in range(NBLK):
        buf = blk % 2
        cs, ct = pending
        if blk + 1 < NBLK:
            nxt = start(blk + 1)
        cs.wait()
        ct.wait()
        run_block(src_bufs[buf], tgt_bufs[buf])
        if blk + 1 < NBLK:
            pending = nxt

    pltpu.sync_copy(hist_v, out_hbm.at[wid])


def _tc_dice_finish(h_ref, o_ref):
    x = h_ref[...]
    key = lax.broadcasted_iota(jnp.int32, (NS, HBINS), 1) // L
    s_cls = key // N_CLASS
    t_cls = key - s_cls * N_CLASS
    zero = jnp.zeros((NS, HBINS), jnp.float32)
    total = jnp.float32(0.0)
    for b in range(2):
        xb = x[b * NS:(b + 1) * NS, :]
        for c in range(N_CLASS):
            inter = jnp.sum(jnp.where(key == c * (N_CLASS + 1), xb, zero))
            sv = jnp.sum(jnp.where(s_cls == c, xb, zero))
            tv = jnp.sum(jnp.where(t_cls == c, xb, zero))
            total += (2.0 * inter + EPS) / (sv + tv + 2.0 * EPS)
    o_ref[0, 0] = -total / N_CLASS


def kernel(source, target):
    src_flat = source.reshape(-1)
    tgt_flat = target.reshape(-1)
    h = _sc_joint_hist(src_flat, tgt_flat)
    loss = pl.pallas_call(
        _tc_dice_finish,
        out_shape=jax.ShapeDtypeStruct((1, 1), jnp.float32),
        in_specs=[pl.BlockSpec(memory_space=pltpu.VMEM)],
        out_specs=pl.BlockSpec(memory_space=pltpu.SMEM),
    )(h)
    return loss[0, 0]

# --- scband reference (transcript-rebuilt; emitter-appended) ---
"""Pipeline reference for scband-dice-loss-multi-class-24524263260564 (READ-ONLY COPY).

The authoritative reference and input builder live on the scoring server;
editing this copy changes nothing except your own understanding.
"""

import jax, jax.numpy as jnp
import numpy as np

N_CLASS = 8
EPS = 1e-07


def mask_to_one_hot(mask_idx, n_classes):
    # mask_idx: int32 [B, 1, N] -> one_hot float32 [B, n_classes, N]
    # faithful to torch.zeros(...).scatter_(1, mask.long(), 1)
    B, _, N = mask_idx.shape
    b = jnp.arange(B)[:, None]
    pos = jnp.arange(N)[None, :]
    cls = mask_idx[:, 0, :]
    one_hot = jnp.zeros((B, n_classes, N), dtype=jnp.float32)
    one_hot = one_hot.at[b, cls, pos].set(1.0)
    return one_hot


def setup_inputs(seed: int = 0) -> dict:
    key = jax.random.key(seed)
    k1, k2 = jax.random.split(key)
    shape = (2, 1, 128, 128, 128)
    source = jax.random.randint(k1, shape, 0, N_CLASS).astype(jnp.float32)
    target = jax.random.randint(k2, shape, 0, N_CLASS).astype(jnp.int32)
    return {"source": source, "target": target}


def reference(source, target):
    # source: float32 [B,1,D,H,W] warped label map in 0..n_class-1
    # target: int32   [B,1,D,H,W] ground-truth label map in 0..n_class-1
    assert source.shape[0] == target.shape[0]
    B = source.shape[0]
    # softmax=False branch; target.shape[1] == source.shape[1] branch
    src_idx = source.reshape(B, 1, -1).astype(jnp.int32)
    tgt_idx = target.reshape(B, 1, -1).astype(jnp.int32)
    source_flat = mask_to_one_hot(src_idx, N_CLASS)
    target_flat = mask_to_one_hot(tgt_idx, N_CLASS)
    # no_bg=False: keep background class
    source_volume = source_flat.sum(2)
    target_volume = target_flat.sum(2)
    intersection = (source_flat * target_flat).sum(2)
    scores = (2.0 * intersection + EPS) / (source_volume + target_volume + 2.0 * EPS)
    return -scores.sum() / scores.shape[1]

if __name__ == "__main__":
    import jax
    _d = setup_inputs()
    print(jax.jit(kernel)(*tuple(_d.values())))

</pallas_src>

<mosaic_0001>
#map = affine_map<(d0, d1) -> (0)>
#map1 = affine_map<(d0, d1) -> (0, 0)>
module attributes {stable_mosaic.version = 14 : i64} {
  func.func @_sc_joint_hist(%arg0: i32, %arg1: i32, %arg2: memref<4194304xf32, #tpu.memory_space<hbm>>, %arg3: memref<4194304xi32, #tpu.memory_space<hbm>>, %arg4: memref<32x1024xf32, #tpu.memory_space<hbm>>, %arg5: memref<16384xf32, #tpu.memory_space<vmem>>, %arg6: memref<16384xf32, #tpu.memory_space<vmem>>, %arg7: memref<16384xi32, #tpu.memory_space<vmem>>, %arg8: memref<16384xi32, #tpu.memory_space<vmem>>, %arg9: memref<1024xf32, #tpu.memory_space<vmem>>, %arg10: memref<!tpu.dma_semaphore, #tpu.memory_space<semaphore_mem>>, %arg11: memref<!tpu.dma_semaphore, #tpu.memory_space<semaphore_mem>>, %arg12: memref<!tpu.dma_semaphore, #tpu.memory_space<semaphore_mem>>, %arg13: memref<!tpu.dma_semaphore, #tpu.memory_space<semaphore_mem>>) attributes {dimension_semantics = [#tpu.dimension_semantics<core_parallel>, #tpu.dimension_semantics<subcore_parallel>], iteration_bounds = array<i64: 2, 16>, scalar_prefetch = 0 : i64, scratch_operands = 9 : i64, tpu.core_type = #tpu.core_type<sc_vector_subcore>, window_params = [{transform_indices = #map}, {transform_indices = #map}, {transform_indices = #map1}]} {
    %mul3A = arith.constant 2 : i32
    %mul3A_0 = arith.muli %arg1, %mul3A : i32
    %add3A = arith.addi %mul3A_0, %arg0 : i32
    %mul3A_1 = arith.constant 131072 : i32
    %mul3A_2 = arith.muli %add3A, %mul3A_1 : i32
    %broadcast_in_dim3A = arith.constant 0.000000e+00 : f32
    %broadcast_in_dim3A_3 = vector.broadcast %broadcast_in_dim3A : f32 to vector<16xf32>
    %swap3A = arith.constant 0 : index
    %swap3A_4 = tpu.vector_load %arg9[%swap3A] {strides = array<i32>} : memref<1024xf32, #tpu.memory_space<vmem>>, vector<16xf32>,
    tpu.vector_store %arg9[%swap3A], %broadcast_in_dim3A_3 {strides = array<i32>} : memref<1024xf32, #tpu.memory_space<vmem>>, vector<16xf32>,
    %swap3A_5 = arith.constant 16 : index
    %swap3A_6 = tpu.vector_load %arg9[%swap3A_5] {strides = array<i32>} : memref<1024xf32, #tpu.memory_space<vmem>>, vector<16xf32>,
    tpu.vector_store %arg9[%swap3A_5], %broadcast_in_dim3A_3 {strides = array<i32>} : memref<1024xf32, #tpu.memory_space<vmem>>, vector<16xf32>,
    %swap3A_7 = arith.constant 32 : index
    %swap3A_8 = tpu.vector_load %arg9[%swap3A_7] {strides = array<i32>} : memref<1024xf32, #tpu.memory_space<vmem>>, vector<16xf32>,
    tpu.vector_store %arg9[%swap3A_7], %broadcast_in_dim3A_3 {strides = array<i32>} : memref<1024xf32, #tpu.memory_space<vmem>>, vector<16xf32>,
    %swap3A_9 = arith.constant 48 : index
    %swap3A_10 = tpu.vector_load %arg9[%swap3A_9] {strides = array<i32>} : memref<1024xf32, #tpu.memory_space<vmem>>, vector<16xf32>,
    tpu.vector_store %arg9[%swap3A_9], %broadcast_in_dim3A_3 {strides = array<i32>} : memref<1024xf32, #tpu.memory_space<vmem>>, vector<16xf32>,
    %swap3A_11 = arith.constant 64 : index
    %swap3A_12 = tpu.vector_load %arg9[%swap3A_11] {strides = array<i32>} : memref<1024xf32, #tpu.memory_space<vmem>>, vector<16xf32>,
    tpu.vector_store %arg9[%swap3A_11], %broadcast_in_dim3A_3 {strides = array<i32>} : memref<1024xf32, #tpu.memory_space<vmem>>, vector<16xf32>,
    %swap3A_13 = arith.constant 80 : index
    %swap3A_14 = tpu.vector_load %arg9[%swap3A_13] {strides = array<i32>} : memref<1024xf32, #tpu.memory_space<vmem>>, vector<16xf32>,
    tpu.vector_store %arg9[%swap3A_13], %broadcast_in_dim3A_3 {strides = array<i32>} : memref<1024xf32, #tpu.memory_space<vmem>>, vector<16xf32>,
    %swap3A_15 = arith.constant 96 : index
    %swap3A_16 = tpu.vector_load %arg9[%swap3A_15] {strides = array<i32>} : memref<1024xf32, #tpu.memory_space<vmem>>, vector<16xf32>,
    tpu.vector_store %arg9[%swap3A_15], %broadcast_in_dim3A_3 {strides = array<i32>} : memref<1024xf32, #tpu.memory_space<vmem>>, vector<16xf32>,
    %swap3A_17 = arith.constant 112 : index
    %swap3A_18 = tpu.vector_load %arg9[%swap3A_17] {strides = array<i32>} : memref<1024xf32, #tpu.memory_space<vmem>>, vector<16xf32>,
    tpu.vector_store %arg9[%swap3A_17], %broadcast_in_dim3A_3 {strides = array<i32>} : memref<1024xf32, #tpu.memory_space<vmem>>, vector<16xf32>,
    %swap3A_19 = arith.constant 128 : index
    %swap3A_20 = tpu.vector_load %arg9[%swap3A_19] {strides = array<i32>} : memref<1024xf32, #tpu.memory_space<vmem>>, vector<16xf32>,
    tpu.vector_store %arg9[%swap3A_19], %broadcast_in_dim3A_3 {strides = array<i32>} : memref<1024xf32, #tpu.memory_space<vmem>>, vector<16xf32>,
    %swap3A_21 = arith.constant 144 : index
    %swap3A_22 = tpu.vector_load %arg9[%swap3A_21] {strides = array<i32>} : memref<1024xf32, #tpu.memory_space<vmem>>, vector<16xf32>,
    tpu.vector_store %arg9[%swap3A_21], %broadcast_in_dim3A_3 {strides = array<i32>} : memref<1024xf32, #tpu.memory_space<vmem>>, vector<16xf32>,
    %swap3A_23 = arith.constant 160 : index
    %swap3A_24 = tpu.vector_load %arg9[%swap3A_23] {strides = array<i32>} : memref<1024xf32, #tpu.memory_space<vmem>>, vector<16xf32>,
    tpu.vector_store %arg9[%swap3A_23], %broadcast_in_dim3A_3 {strides = array<i32>} : memref<1024xf32, #tpu.memory_space<vmem>>, vector<16xf32>,
    %swap3A_25 = arith.constant 176 : index
    %swap3A_26 = tpu.vector_load %arg9[%swap3A_25] {strides = array<i32>} : memref<1024xf32, #tpu.memory_space<vmem>>, vector<16xf32>,
    tpu.vector_store %arg9[%swap3A_25], %broadcast_in_dim3A_3 {strides = array<i32>} : memref<1024xf32, #tpu.memory_space<vmem>>, vector<16xf32>,
    %swap3A_27 = arith.constant 192 : index
    %swap3A_28 = tpu.vector_load %arg9[%swap3A_27] {strides = array<i32>} : memref<1024xf32, #tpu.memory_space<vmem>>, vector<16xf32>,
    tpu.vector_store %arg9[%swap3A_27], %broadcast_in_dim3A_3 {strides = array<i32>} : memref<1024xf32, #tpu.memory_space<vmem>>, vector<16xf32>,
    %swap3A_29 = arith.constant 208 : index
    %swap3A_30 = tpu.vector_load %arg9[%swap3A_29] {strides = array<i32>} : memref<1024xf32, #tpu.memory_space<vmem>>, vector<16xf32>,
    tpu.vector_store %arg9[%swap3A_29], %broadcast_in_dim3A_3 {strides = array<i32>} : memref<1024xf32, #tpu.memory_space<vmem>>, vector<16xf32>,
    %swap3A_31 = arith.constant 224 : index
    %swap3A_32 = tpu.vector_load %arg9[%swap3A_31] {strides = array<i32>} : memref<1024xf32, #tpu.memory_space<vmem>>, vector<16xf32>,
    tpu.vector_store %arg9[%swap3A_31], %broadcast_in_dim3A_3 {strides = array<i32>} : memref<1024xf32, #tpu.memory_space<vmem>>, vector<16xf32>,
    %swap3A_33 = arith.constant 240 : index
    %swap3A_34 = tpu.vector_load %arg9[%swap3A_33] {strides = array<i32>} : memref<1024xf32, #tpu.memory_space<vmem>>, vector<16xf32>,
    tpu.vector_store %arg9[%swap3A_33], %broadcast_in_dim3A_3 {strides = array<i32>} : memref<1024xf32, #tpu.memory_space<vmem>>, vector<16xf32>,
    %swap3A_35 = arith.constant 256 : index
    %swap3A_36 = tpu.vector_load %arg9[%swap3A_35] {strides = array<i32>} : memref<1024xf32, #tpu.memory_space<vmem>>, vector<16xf32>,
    tpu.vector_store %arg9[%swap3A_35], %broadcast_in_dim3A_3 {strides = array<i32>} : memref<1024xf32, #tpu.memory_space<vmem>>, vector<16xf32>,
    %swap3A_37 = arith.constant 272 : index
    %swap3A_38 = tpu.vector_load %arg9[%swap3A_37] {strides = array<i32>} : memref<1024xf32, #tpu.memory_space<vmem>>, vector<16xf32>,
    tpu.vector_store %arg9[%swap3A_37], %broadcast_in_dim3A_3 {strides = array<i32>} : memref<1024xf32, #tpu.memory_space<vmem>>, vector<16xf32>,
    %swap3A_39 = arith.constant 288 : index
    %swap3A_40 = tpu.vector_load %arg9[%swap3A_39] {strides = array<i32>} : memref<1024xf32, #tpu.memory_space<vmem>>, vector<16xf32>,
    tpu.vector_store %arg9[%swap3A_39], %broadcast_in_dim3A_3 {strides = array<i32>} : memref<1024xf32, #tpu.memory_space<vmem>>, vector<16xf32>,
    %swap3A_41 = arith.constant 304 : index
    %swap3A_42 = tpu.vector_load %arg9[%swap3A_41] {strides = array<i32>} : memref<1024xf32, #tpu.memory_space<vmem>>, vector<16xf32>,
    tpu.vector_store %arg9[%swap3A_41], %broadcast_in_dim3A_3 {strides = array<i32>} : memref<1024xf32, #tpu.memory_space<vmem>>, vector<16xf32>,
    %swap3A_43 = arith.constant 320 : index
    %swap3A_44 = tpu.vector_load %arg9[%swap3A_43] {strides = array<i32>} : memref<1024xf32, #tpu.memory_space<vmem>>, vector<16xf32>,
    tpu.vector_store %arg9[%swap3A_43], %broadcast_in_dim3A_3 {strides = array<i32>} : memref<1024xf32, #tpu.memory_space<vmem>>, vector<16xf32>,
    %swap3A_45 = arith.constant 336 : index
    %swap3A_46 = tpu.vector_load %arg9[%swap3A_45] {strides = array<i32>} : memref<1024xf32, #tpu.memory_space<vmem>>, vector<16xf32>,
    tpu.vector_store %arg9[%swap3A_45], %broadcast_in_dim3A_3 {strides = array<i32>} : memref<1024xf32, #tpu.memory_space<vmem>>, vector<16xf32>,
    %swap3A_47 = arith.constant 352 : index
    %swap3A_48 = tpu.vector_load %arg9[%swap3A_47] {strides = array<i32>} : memref<1024xf32, #tpu.memory_space<vmem>>, vector<16xf32>,
    tpu.vector_store %arg9[%swap3A_47], %broadcast_in_dim3A_3 {strides = array<i32>} : memref<1024xf32, #tpu.memory_space<vmem>>, vector<16xf32>,
    %swap3A_49 = arith.constant 368 : index
    %swap3A_50 = tpu.vector_load %arg9[%swap3A_49] {strides = array<i32>} : memref<1024xf32, #tpu.memory_space<vmem>>, vector<16xf32>,
    tpu.vector_store %arg9[%swap3A_49], %broadcast_in_dim3A_3 {strides = array<i32>} : memref<1024xf32, #tpu.memory_space<vmem>>, vector<16xf32>,
    %swap3A_51 = arith.constant 384 : index
    %swap3A_52 = tpu.vector_load %arg9[%swap3A_51] {strides = array<i32>} : memref<1024xf32, #tpu.memory_space<vmem>>, vector<16xf32>,
    tpu.vector_store %arg9[%swap3A_51], %broadcast_in_dim3A_3 {strides = array<i32>} : memref<1024xf32, #tpu.memory_space<vmem>>, vector<16xf32>,
    %swap3A_53 = arith.constant 400 : index
    %swap3A_54 = tpu.vector_load %arg9[%swap3A_53] {strides = array<i32>} : memref<1024xf32, #tpu.memory_space<vmem>>, vector<16xf32>,
    tpu.vector_store %arg9[%swap3A_53], %broadcast_in_dim3A_3 {strides = array<i32>} : memref<1024xf32, #tpu.memory_space<vmem>>, vector<16xf32>,
    %swap3A_55 = arith.constant 416 : index
    %swap3A_56 = tpu.vector_load %arg9[%swap3A_55] {strides = array<i32>} : memref<1024xf32, #tpu.memory_space<vmem>>, vector<16xf32>,
    tpu.vector_store %arg9[%swap3A_55], %broadcast_in_dim3A_3 {strides = array<i32>} : memref<1024xf32, #tpu.memory_space<vmem>>, vector<16xf32>,
    %swap3A_57 = arith.constant 432 : index
    %swap3A_58 = tpu.vector_load %arg9[%swap3A_57] {strides = array<i32>} : memref<1024xf32, #tpu.memory_space<vmem>>, vector<16xf32>,
    tpu.vector_store %arg9[%swap3A_57], %broadcast_in_dim3A_3 {strides = array<i32>} : memref<1024xf32, #tpu.memory_space<vmem>>, vector<16xf32>,
    %swap3A_59 = arith.constant 448 : index
    %swap3A_60 = tpu.vector_load %arg9[%swap3A_59] {strides = array<i32>} : memref<1024xf32, #tpu.memory_space<vmem>>, vector<16xf32>,
    tpu.vector_store %arg9[%swap3A_59], %broadcast_in_dim3A_3 {strides = array<i32>} : memref<1024xf32, #tpu.memory_space<vmem>>, vector<16xf32>,
    %swap3A_61 = arith.constant 464 : index
    %swap3A_62 = tpu.vector_load %arg9[%swap3A_61] {strides = array<i32>} : memref<1024xf32, #tpu.memory_space<vmem>>, vector<16xf32>,
    tpu.vector_store %arg9[%swap3A_61], %broadcast_in_dim3A_3 {strides = array<i32>} : memref<1024xf32, #tpu.memory_space<vmem>>, vector<16xf32>,
    %swap3A_63 = arith.constant 480 : index
    %swap3A_64 = tpu.vector_load %arg9[%swap3A_63] {strides = array<i32>} : memref<1024xf32, #tpu.memory_space<vmem>>, vector<16xf32>,
    tpu.vector_store %arg9[%swap3A_63], %broadcast_in_dim3A_3 {strides = array<i32>} : memref<1024xf32, #tpu.memory_space<vmem>>, vector<16xf32>,
    %swap3A_65 = arith.constant 496 : index
    %swap3A_66 = tpu.vector_load %arg9[%swap3A_65] {strides = array<i32>} : memref<1024xf32, #tpu.memory_space<vmem>>, vector<16xf32>,
    tpu.vector_store %arg9[%swap3A_65], %broadcast_in_dim3A_3 {strides = array<i32>} : memref<1024xf32, #tpu.memory_space<vmem>>, vector<16xf32>,
    %swap3A_67 = arith.constant 512 : index
    %swap3A_68 = tpu.vector_load %arg9[%swap3A_67] {strides = array<i32>} : memref<1024xf32, #tpu.memory_space<vmem>>, vector<16xf32>,
    tpu.vector_store %arg9[%swap3A_67], %broadcast_in_dim3A_3 {strides = array<i32>} : memref<1024xf32, #tpu.memory_space<vmem>>, vector<16xf32>,
    %swap3A_69 = arith.constant 528 : index
    %swap3A_70 = tpu.vector_load %arg9[%swap3A_69] {strides = array<i32>} : memref<1024xf32, #tpu.memory_space<vmem>>, vector<16xf32>,
    tpu.vector_store %arg9[%swap3A_69], %broadcast_in_dim3A_3 {strides = array<i32>} : memref<1024xf32, #tpu.memory_space<vmem>>, vector<16xf32>,
    %swap3A_71 = arith.constant 544 : index
    %swap3A_72 = tpu.vector_load %arg9[%swap3A_71] {strides = array<i32>} : memref<1024xf32, #tpu.memory_space<vmem>>, vector<16xf32>,
    tpu.vector_store %arg9[%swap3A_71], %broadcast_in_dim3A_3 {strides = array<i32>} : memref<1024xf32, #tpu.memory_space<vmem>>, vector<16xf32>,
    %swap3A_73 = arith.constant 560 : index
    %swap3A_74 = tpu.vector_load %arg9[%swap3A_73] {strides = array<i32>} : memref<1024xf32, #tpu.memory_space<vmem>>, vector<16xf32>,
    tpu.vector_store %arg9[%swap3A_73], %broadcast_in_dim3A_3 {strides = array<i32>} : memref<1024xf32, #tpu.memory_space<vmem>>, vector<16xf32>,
    %swap3A_75 = arith.constant 576 : index
    %swap3A_76 = tpu.vector_load %arg9[%swap3A_75] {strides = array<i32>} : memref<1024xf32, #tpu.memory_space<vmem>>, vector<16xf32>,
    tpu.vector_store %arg9[%swap3A_75], %broadcast_in_dim3A_3 {strides = array<i32>} : memref<1024xf32, #tpu.memory_space<vmem>>, vector<16xf32>,
    %swap3A_77 = arith.constant 592 : index
    %swap3A_78 = tpu.vector_load %arg9[%swap3A_77] {strides = array<i32>} : memref<1024xf32, #tpu.memory_space<vmem>>, vector<16xf32>,
    tpu.vector_store %arg9[%swap3A_77], %broadcast_in_dim3A_3 {strides = array<i32>} : memref<1024xf32, #tpu.memory_space<vmem>>, vector<16xf32>,
    %swap3A_79 = arith.constant 608 : index
    %swap3A_80 = tpu.vector_load %arg9[%swap3A_79] {strides = array<i32>} : memref<1024xf32, #tpu.memory_space<vmem>>, vector<16xf32>,
    tpu.vector_store %arg9[%swap3A_79], %broadcast_in_dim3A_3 {strides = array<i32>} : memref<1024xf32, #tpu.memory_space<vmem>>, vector<16xf32>,
    %swap3A_81 = arith.constant 624 : index
    %swap3A_82 = tpu.vector_load %arg9[%swap3A_81] {strides = array<i32>} : memref<1024xf32, #tpu.memory_space<vmem>>, vector<16xf32>,
    tpu.vector_store %arg9[%swap3A_81], %broadcast_in_dim3A_3 {strides = array<i32>} : memref<1024xf32, #tpu.memory_space<vmem>>, vector<16xf32>,
    %swap3A_83 = arith.constant 640 : index
    %swap3A_84 = tpu.vector_load %arg9[%swap3A_83] {strides = array<i32>} : memref<1024xf32, #tpu.memory_space<vmem>>, vector<16xf32>,
    tpu.vector_store %arg9[%swap3A_83], %broadcast_in_dim3A_3 {strides = array<i32>} : memref<1024xf32, #tpu.memory_space<vmem>>, vector<16xf32>,
    %swap3A_85 = arith.constant 656 : index
    %swap3A_86 = tpu.vector_load %arg9[%swap3A_85] {strides = array<i32>} : memref<1024xf32, #tpu.memory_space<vmem>>, vector<16xf32>,
    tpu.vector_store %arg9[%swap3A_85], %broadcast_in_dim3A_3 {strides = array<i32>} : memref<1024xf32, #tpu.memory_space<vmem>>, vector<16xf32>,
    %swap3A_87 = arith.constant 672 : index
    %swap3A_88 = tpu.vector_load %arg9[%swap3A_87] {strides = array<i32>} : memref<1024xf32, #tpu.memory_space<vmem>>, vector<16xf32>,
    tpu.vector_store %arg9[%swap3A_87], %broadcast_in_dim3A_3 {strides = array<i32>} : memref<1024xf32, #tpu.memory_space<vmem>>, vector<16xf32>,
    %swap3A_89 = arith.constant 688 : index
    %swap3A_90 = tpu.vector_load %arg9[%swap3A_89] {strides = array<i32>} : memref<1024xf32, #tpu.memory_space<vmem>>, vector<16xf32>,
    tpu.vector_store %arg9[%swap3A_89], %broadcast_in_dim3A_3 {strides = array<i32>} : memref<1024xf32, #tpu.memory_space<vmem>>, vector<16xf32>,
    %swap3A_91 = arith.constant 704 : index
    %swap3A_92 = tpu.vector_load %arg9[%swap3A_91] {strides = array<i32>} : memref<1024xf32, #tpu.memory_space<vmem>>, vector<16xf32>,
    tpu.vector_store %arg9[%swap3A_91], %broadcast_in_dim3A_3 {strides = array<i32>} : memref<1024xf32, #tpu.memory_space<vmem>>, vector<16xf32>,
    %swap3A_93 = arith.constant 720 : index
    %swap3A_94 = tpu.vector_load %arg9[%swap3A_93] {strides = array<i32>} : memref<1024xf32, #tpu.memory_space<vmem>>, vector<16xf32>,
    tpu.vector_store %arg9[%swap3A_93], %broadcast_in_dim3A_3 {strides = array<i32>} : memref<1024xf32, #tpu.memory_space<vmem>>, vector<16xf32>,
    %swap3A_95 = arith.constant 736 : index
    %swap3A_96 = tpu.vector_load %arg9[%swap3A_95] {strides = array<i32>} : memref<1024xf32, #tpu.memory_space<vmem>>, vector<16xf32>,
    tpu.vector_store %arg9[%swap3A_95], %broadcast_in_dim3A_3 {strides = array<i32>} : memref<1024xf32, #tpu.memory_space<vmem>>, vector<16xf32>,
    %swap3A_97 = arith.constant 752 : index
    %swap3A_98 = tpu.vector_load %arg9[%swap3A_97] {strides = array<i32>} : memref<1024xf32, #tpu.memory_space<vmem>>, vector<16xf32>,
    tpu.vector_store %arg9[%swap3A_97], %broadcast_in_dim3A_3 {strides = array<i32>} : memref<1024xf32, #tpu.memory_space<vmem>>, vector<16xf32>,
    %swap3A_99 = arith.constant 768 : index
    %swap3A_100 = tpu.vector_load %arg9[%swap3A_99] {strides = array<i32>} : memref<1024xf32, #tpu.memory_space<vmem>>, vector<16xf32>,
    tpu.vector_store %arg9[%swap3A_99], %broadcast_in_dim3A_3 {strides = array<i32>} : memref<1024xf32, #tpu.memory_space<vmem>>, vector<16xf32>,
    %swap3A_101 = arith.constant 784 : index
    %swap3A_102 = tpu.vector_load %arg9[%swap3A_101] {strides = array<i32>} : memref<1024xf32, #tpu.memory_space<vmem>>, vector<16xf32>,
    tpu.vector_store %arg9[%swap3A_101], %broadcast_in_dim3A_3 {strides = array<i32>} : memref<1024xf32, #tpu.memory_space<vmem>>, vector<16xf32>,
    %swap3A_103 = arith.constant 800 : index
    %swap3A_104 = tpu.vector_load %arg9[%swap3A_103] {strides = array<i32>} : memref<1024xf32, #tpu.memory_space<vmem>>, vector<16xf32>,
    tpu.vector_store %arg9[%swap3A_103], %broadcast_in_dim3A_3 {strides = array<i32>} : memref<1024xf32, #tpu.memory_space<vmem>>, vector<16xf32>,
    %swap3A_105 = arith.constant 816 : index
    %swap3A_106 = tpu.vector_load %arg9[%swap3A_105] {strides = array<i32>} : memref<1024xf32, #tpu.memory_space<vmem>>, vector<16xf32>,
    tpu.vector_store %arg9[%swap3A_105], %broadcast_in_dim3A_3 {strides = array<i32>} : memref<1024xf32, #tpu.memory_space<vmem>>, vector<16xf32>,
    %swap3A_107 = arith.constant 832 : index
    %swap3A_108 = tpu.vector_load %arg9[%swap3A_107] {strides = array<i32>} : memref<1024xf32, #tpu.memory_space<vmem>>, vector<16xf32>,
    tpu.vector_store %arg9[%swap3A_107], %broadcast_in_dim3A_3 {strides = array<i32>} : memref<1024xf32, #tpu.memory_space<vmem>>, vector<16xf32>,
    %swap3A_109 = arith.constant 848 : index
    %swap3A_110 = tpu.vector_load %arg9[%swap3A_109] {strides = array<i32>} : memref<1024xf32, #tpu.memory_space<vmem>>, vector<16xf32>,
    tpu.vector_store %arg9[%swap3A_109], %broadcast_in_dim3A_3 {strides = array<i32>} : memref<1024xf32, #tpu.memory_space<vmem>>, vector<16xf32>,
    %swap3A_111 = arith.constant 864 : index
    %swap3A_112 = tpu.vector_load %arg9[%swap3A_111] {strides = array<i32>} : memref<1024xf32, #tpu.memory_space<vmem>>, vector<16xf32>,
    tpu.vector_store %arg9[%swap3A_111], %broadcast_in_dim3A_3 {strides = array<i32>} : memref<1024xf32, #tpu.memory_space<vmem>>, vector<16xf32>,
    %swap3A_113 = arith.constant 880 : index
    %swap3A_114 = tpu.vector_load %arg9[%swap3A_113] {strides = array<i32>} : memref<1024xf32, #tpu.memory_space<vmem>>, vector<16xf32>,
    tpu.vector_store %arg9[%swap3A_113], %broadcast_in_dim3A_3 {strides = array<i32>} : memref<1024xf32, #tpu.memory_space<vmem>>, vector<16xf32>,
    %swap3A_115 = arith.constant 896 : index
    %swap3A_116 = tpu.vector_load %arg9[%swap3A_115] {strides = array<i32>} : memref<1024xf32, #tpu.memory_space<vmem>>, vector<16xf32>,
    tpu.vector_store %arg9[%swap3A_115], %broadcast_in_dim3A_3 {strides = array<i32>} : memref<1024xf32, #tpu.memory_space<vmem>>, vector<16xf32>,
    %swap3A_117 = arith.constant 912 : index
    %swap3A_118 = tpu.vector_load %arg9[%swap3A_117] {strides = array<i32>} : memref<1024xf32, #tpu.memory_space<vmem>>, vector<16xf32>,
    tpu.vector_store %arg9[%swap3A_117], %broadcast_in_dim3A_3 {strides = array<i32>} : memref<1024xf32, #tpu.memory_space<vmem>>, vector<16xf32>,
    %swap3A_119 = arith.constant 928 : index
    %swap3A_120 = tpu.vector_load %arg9[%swap3A_119] {strides = array<i32>} : memref<1024xf32, #tpu.memory_space<vmem>>, vector<16xf32>,
    tpu.vector_store %arg9[%swap3A_119], %broadcast_in_dim3A_3 {strides = array<i32>} : memref<1024xf32, #tpu.memory_space<vmem>>, vector<16xf32>,
    %swap3A_121 = arith.constant 944 : index
    %swap3A_122 = tpu.vector_load %arg9[%swap3A_121] {strides = array<i32>} : memref<1024xf32, #tpu.memory_space<vmem>>, vector<16xf32>,
    tpu.vector_store %arg9[%swap3A_121], %broadcast_in_dim3A_3 {strides = array<i32>} : memref<1024xf32, #tpu.memory_space<vmem>>, vector<16xf32>,
    %swap3A_123 = arith.constant 960 : index
    %swap3A_124 = tpu.vector_load %arg9[%swap3A_123] {strides = array<i32>} : memref<1024xf32, #tpu.memory_space<vmem>>, vector<16xf32>,
    tpu.vector_store %arg9[%swap3A_123], %broadcast_in_dim3A_3 {strides = array<i32>} : memref<1024xf32, #tpu.memory_space<vmem>>, vector<16xf32>,
    %swap3A_125 = arith.constant 976 : index
    %swap3A_126 = tpu.vector_load %arg9[%swap3A_125] {strides = array<i32>} : memref<1024xf32, #tpu.memory_space<vmem>>, vector<16xf32>,
    tpu.vector_store %arg9[%swap3A_125], %broadcast_in_dim3A_3 {strides = array<i32>} : memref<1024xf32, #tpu.memory_space<vmem>>, vector<16xf32>,
    %swap3A_127 = arith.constant 992 : index
    %swap3A_128 = tpu.vector_load %arg9[%swap3A_127] {strides = array<i32>} : memref<1024xf32, #tpu.memory_space<vmem>>, vector<16xf32>,
    tpu.vector_store %arg9[%swap3A_127], %broadcast_in_dim3A_3 {strides = array<i32>} : memref<1024xf32, #tpu.memory_space<vmem>>, vector<16xf32>,
    %swap3A_129 = arith.constant 1008 : index
    %swap3A_130 = tpu.vector_load %arg9[%swap3A_129] {strides = array<i32>} : memref<1024xf32, #tpu.memory_space<vmem>>, vector<16xf32>,
    tpu.vector_store %arg9[%swap3A_129], %broadcast_in_dim3A_3 {strides = array<i32>} : memref<1024xf32, #tpu.memory_space<vmem>>, vector<16xf32>,
    %iota3A = tpu.iota {dimensions = array<i32: 0>} : vector<16xi32>
    %sub3A = arith.constant 1258291200 : i32
    %sub3A_131 = vector.broadcast %sub3A : i32 to vector<16xi32>
    %sub3A_132 = arith.subi %iota3A, %sub3A_131 : vector<16xi32>
    %broadcast_in_dim3A_133 = arith.constant 1.000000e+00 : f32
    %broadcast_in_dim3A_134 = vector.broadcast %broadcast_in_dim3A_133 : f32 to vector<16xf32>
    %add3A_135 = arith.constant 0 : i32
    %add3A_136 = arith.addi %mul3A_2, %add3A_135 : i32
    %dma_start3A = tpu.memref_slice %arg2[%add3A_136] : memref<4194304xf32, #tpu.memory_space<hbm>> -> memref<16384xf32, #tpu.memory_space<hbm>>
    %dma_start3A_137 = tpu.memref_slice %arg2[%add3A_136] : memref<4194304xf32, #tpu.memory_space<hbm>> -> memref<16384xf32, #tpu.memory_space<hbm>>
    tpu.enqueue_dma source(%dma_start3A_137 : memref<16384xf32, #tpu.memory_space<hbm>>) target(%arg5 : memref<16384xf32, #tpu.memory_space<vmem>>) target_semaphore(%arg10 : memref<!tpu.dma_semaphore, #tpu.memory_space<semaphore_mem>>)
    %dma_start3A_138 = tpu.memref_slice %arg3[%add3A_136] : memref<4194304xi32, #tpu.memory_space<hbm>> -> memref<16384xi32, #tpu.memory_space<hbm>>
    %dma_start3A_139 = tpu.memref_slice %arg3[%add3A_136] : memref<4194304xi32, #tpu.memory_space<hbm>> -> memref<16384xi32, #tpu.memory_space<hbm>>
    tpu.enqueue_dma source(%dma_start3A_139 : memref<16384xi32, #tpu.memory_space<hbm>>) target(%arg7 : memref<16384xi32, #tpu.memory_space<vmem>>) target_semaphore(%arg12 : memref<!tpu.dma_semaphore, #tpu.memory_space<semaphore_mem>>)
    %add3A_140 = arith.constant 16384 : i32
    %add3A_141 = arith.addi %mul3A_2, %add3A_140 : i32
    %dma_start3A_142 = tpu.memref_slice %arg2[%add3A_141] : memref<4194304xf32, #tpu.memory_space<hbm>> -> memref<16384xf32, #tpu.memory_space<hbm>>
    %dma_start3A_143 = tpu.memref_slice %arg2[%add3A_141] : memref<4194304xf32, #tpu.memory_space<hbm>> -> memref<16384xf32, #tpu.memory_space<hbm>>
    tpu.enqueue_dma source(%dma_start3A_143 : memref<16384xf32, #tpu.memory_space<hbm>>) target(%arg6 : memref<16384xf32, #tpu.memory_space<vmem>>) target_semaphore(%arg11 : memref<!tpu.dma_semaphore, #tpu.memory_space<semaphore_mem>>)
    %dma_start3A_144 = tpu.memref_slice %arg3[%add3A_141] : memref<4194304xi32, #tpu.memory_space<hbm>> -> memref<16384xi32, #tpu.memory_space<hbm>>
    %dma_start3A_145 = tpu.memref_slice %arg3[%add3A_141] : memref<4194304xi32, #tpu.memory_space<hbm>> -> memref<16384xi32, #tpu.memory_space<hbm>>
    tpu.enqueue_dma source(%dma_start3A_145 : memref<16384xi32, #tpu.memory_space<hbm>>) target(%arg8 : memref<16384xi32, #tpu.memory_space<vmem>>) target_semaphore(%arg13 : memref<!tpu.dma_semaphore, #tpu.memory_space<semaphore_mem>>)
    %dma_wait3A = tpu.memref_slice %arg2[%add3A_136] : memref<4194304xf32, #tpu.memory_space<hbm>> -> memref<16384xf32, #tpu.memory_space<hbm>>
    %dma_wait3A_146 = tpu.memref_slice %arg2[%add3A_136] : memref<4194304xf32, #tpu.memory_space<hbm>> -> memref<16384xf32, #tpu.memory_space<hbm>>
    tpu.wait_dma2 semaphore(%arg10 : memref<!tpu.dma_semaphore, #tpu.memory_space<semaphore_mem>>) src(%dma_wait3A_146 : memref<16384xf32, #tpu.memory_space<hbm>>) dst(%arg5 : memref<16384xf32, #tpu.memory_space<vmem>>)
    %dma_wait3A_147 = tpu.memref_slice %arg3[%add3A_136] : memref<4194304xi32, #tpu.memory_space<hbm>> -> memref<16384xi32, #tpu.memory_space<hbm>>
    %dma_wait3A_148 = tpu.memref_slice %arg3[%add3A_136] : memref<4194304xi32, #tpu.memory_space<hbm>> -> memref<16384xi32, #tpu.memory_space<hbm>>
    tpu.wait_dma2 semaphore(%arg12 : memref<!tpu.dma_semaphore, #tpu.memory_space<semaphore_mem>>) src(%dma_wait3A_148 : memref<16384xi32, #tpu.memory_space<hbm>>) dst(%arg7 : memref<16384xi32, #tpu.memory_space<vmem>>)
    %parallel_loop3A = arith.constant 0 : i32
    %parallel_loop3A_149 = arith.constant 1024 : i32
    %parallel_loop3A_150 = arith.constant 1 : i32
    %parallel_loop3A_151 = arith.constant 0x4B000000 : f32
    scf.for %parallel_loop3A_244 = %parallel_loop3A to %parallel_loop3A_149 step %parallel_loop3A_150  : i32 {
      %parallel_loop3A_245 = arith.constant 16 : i32
      %parallel_loop3A_246 = arith.muli %parallel_loop3A_244, %parallel_loop3A_245 : i32
      %parallel_loop3A_247 = arith.index_cast %parallel_loop3A_246 : i32 to index
      %parallel_loop3A_248 = tpu.vector_load %arg5[%parallel_loop3A_247] {strides = array<i32>} : memref<16384xf32, #tpu.memory_space<vmem>>, vector<16xf32>,
      %parallel_loop3A_249 = arith.constant 1.280000e+02 : f32
      %parallel_loop3A_250 = vector.broadcast %parallel_loop3A_249 : f32 to vector<16xf32>
      %parallel_loop3A_251 = arith.mulf %parallel_loop3A_248, %parallel_loop3A_250 : vector<16xf32>
      %parallel_loop3A_252 = vector.broadcast %parallel_loop3A_151 : f32 to vector<16xf32>
      %parallel_loop3A_253 = arith.addf %parallel_loop3A_251, %parallel_loop3A_252 : vector<16xf32>
      %parallel_loop3A_254 = vector.bitcast %parallel_loop3A_253 : vector<16xf32> to vector<16xi32>
      %parallel_loop3A_255 = arith.constant 16 : i32
      %parallel_loop3A_256 = arith.muli %parallel_loop3A_244, %parallel_loop3A_255 : i32
      %parallel_loop3A_257 = arith.index_cast %parallel_loop3A_256 : i32 to index
      %parallel_loop3A_258 = tpu.vector_load %arg7[%parallel_loop3A_257] {strides = array<i32>} : memref<16384xi32, #tpu.memory_space<vmem>>, vector<16xi32>,
      %parallel_loop3A_259 = arith.constant 16 : i32
      %parallel_loop3A_260 = vector.broadcast %parallel_loop3A_259 : i32 to vector<16xi32>
      %parallel_loop3A_261 = arith.muli %parallel_loop3A_258, %parallel_loop3A_260 : vector<16xi32>
      %parallel_loop3A_262 = arith.addi %parallel_loop3A_261, %sub3A_132 : vector<16xi32>
      %parallel_loop3A_263 = arith.addi %parallel_loop3A_254, %parallel_loop3A_262 : vector<16xi32>
      tpu.vector_store_idx %arg9[%parallel_loop3A_263], %broadcast_in_dim3A_134 {add = true} : memref<1024xf32, #tpu.memory_space<vmem>>[vector<16xi32>], vector<16xf32>,
    } {sc.loop_unroll_factor = 4 : i64, sc.parallel_access}
    %add3A_152 = arith.constant 32768 : i32
    %add3A_153 = arith.addi %mul3A_2, %add3A_152 : i32
    %dma_start3A_154 = tpu.memref_slice %arg2[%add3A_153] : memref<4194304xf32, #tpu.memory_space<hbm>> -> memref<16384xf32, #tpu.memory_space<hbm>>
    %dma_start3A_155 = tpu.memref_slice %arg2[%add3A_153] : memref<4194304xf32, #tpu.memory_space<hbm>> -> memref<16384xf32, #tpu.memory_space<hbm>>
    tpu.enqueue_dma source(%dma_start3A_155 : memref<16384xf32, #tpu.memory_space<hbm>>) target(%arg5 : memref<16384xf32, #tpu.memory_space<vmem>>) target_semaphore(%arg10 : memref<!tpu.dma_semaphore, #tpu.memory_space<semaphore_mem>>)
    %dma_start3A_156 = tpu.memref_slice %arg3[%add3A_153] : memref<4194304xi32, #tpu.memory_space<hbm>> -> memref<16384xi32, #tpu.memory_space<hbm>>
    %dma_start3A_157 = tpu.memref_slice %arg3[%add3A_153] : memref<4194304xi32, #tpu.memory_space<hbm>> -> memref<16384xi32, #tpu.memory_space<hbm>>
    tpu.enqueue_dma source(%dma_start3A_157 : memref<16384xi32, #tpu.memory_space<hbm>>) target(%arg7 : memref<16384xi32, #tpu.memory_space<vmem>>) target_semaphore(%arg12 : memref<!tpu.dma_semaphore, #tpu.memory_space<semaphore_mem>>)
    %dma_wait3A_158 = tpu.memref_slice %arg2[%add3A_141] : memref<4194304xf32, #tpu.memory_space<hbm>> -> memref<16384xf32, #tpu.memory_space<hbm>>
    %dma_wait3A_159 = tpu.memref_slice %arg2[%add3A_141] : memref<4194304xf32, #tpu.memory_space<hbm>> -> memref<16384xf32, #tpu.memory_space<hbm>>
    tpu.wait_dma2 semaphore(%arg11 : memref<!tpu.dma_semaphore, #tpu.memory_space<semaphore_mem>>) src(%dma_wait3A_159 : memref<16384xf32, #tpu.memory_space<hbm>>) dst(%arg6 : memref<16384xf32, #tpu.memory_space<vmem>>)
    %dma_wait3A_160 = tpu.memref_slice %arg3[%add3A_141] : memref<4194304xi32, #tpu.memory_space<hbm>> -> memref<16384xi32, #tpu.memory_space<hbm>>
    %dma_wait3A_161 = tpu.memref_slice %arg3[%add3A_141] : memref<4194304xi32, #tpu.memory_space<hbm>> -> memref<16384xi32, #tpu.memory_space<hbm>>
    tpu.wait_dma2 semaphore(%arg13 : memref<!tpu.dma_semaphore, #tpu.memory_space<semaphore_mem>>) src(%dma_wait3A_161 : memref<16384xi32, #tpu.memory_space<hbm>>) dst(%arg8 : memref<16384xi32, #tpu.memory_space<vmem>>)
    %parallel_loop3A_162 = arith.constant 0 : i32
    %parallel_loop3A_163 = arith.constant 1024 : i32
    %parallel_loop3A_164 = arith.constant 1 : i32
    %parallel_loop3A_165 = arith.constant 0x4B000000 : f32
    scf.for %parallel_loop3A_244 = %parallel_loop3A_162 to %parallel_loop3A_163 step %parallel_loop3A_164  : i32 {
      %parallel_loop3A_245 = arith.constant 16 : i32
      %parallel_loop3A_246 = arith.muli %parallel_loop3A_244, %parallel_loop3A_245 : i32
      %parallel_loop3A_247 = arith.index_cast %parallel_loop3A_246 : i32 to index
      %parallel_loop3A_248 = tpu.vector_load %arg6[%parallel_loop3A_247] {strides = array<i32>} : memref<16384xf32, #tpu.memory_space<vmem>>, vector<16xf32>,
      %parallel_loop3A_249 = arith.constant 1.280000e+02 : f32
      %parallel_loop3A_250 = vector.broadcast %parallel_loop3A_249 : f32 to vector<16xf32>
      %parallel_loop3A_251 = arith.mulf %parallel_loop3A_248, %parallel_loop3A_250 : vector<16xf32>
      %parallel_loop3A_252 = vector.broadcast %parallel_loop3A_165 : f32 to vector<16xf32>
      %parallel_loop3A_253 = arith.addf %parallel_loop3A_251, %parallel_loop3A_252 : vector<16xf32>
      %parallel_loop3A_254 = vector.bitcast %parallel_loop3A_253 : vector<16xf32> to vector<16xi32>
      %parallel_loop3A_255 = arith.constant 16 : i32
      %parallel_loop3A_256 = arith.muli %parallel_loop3A_244, %parallel_loop3A_255 : i32
      %parallel_loop3A_257 = arith.index_cast %parallel_loop3A_256 : i32 to index
      %parallel_loop3A_258 = tpu.vector_load %arg8[%parallel_loop3A_257] {strides = array<i32>} : memref<16384xi32, #tpu.memory_space<vmem>>, vector<16xi32>,
      %parallel_loop3A_259 = arith.constant 16 : i32
      %parallel_loop3A_260 = vector.broadcast %parallel_loop3A_259 : i32 to vector<16xi32>
      %parallel_loop3A_261 = arith.muli %parallel_loop3A_258, %parallel_loop3A_260 : vector<16xi32>
      %parallel_loop3A_262 = arith.addi %parallel_loop3A_261, %sub3A_132 : vector<16xi32>
      %parallel_loop3A_263 = arith.addi %parallel_loop3A_254, %parallel_loop3A_262 : vector<16xi32>
      tpu.vector_store_idx %arg9[%parallel_loop3A_263], %broadcast_in_dim3A_134 {add = true} : memref<1024xf32, #tpu.memory_space<vmem>>[vector<16xi32>], vector<16xf32>,
    } {sc.loop_unroll_factor = 4 : i64, sc.parallel_access}
    %add3A_166 = arith.constant 49152 : i32
    %add3A_167 = arith.addi %mul3A_2, %add3A_166 : i32
    %dma_start3A_168 = tpu.memref_slice %arg2[%add3A_167] : memref<4194304xf32, #tpu.memory_space<hbm>> -> memref<16384xf32, #tpu.memory_space<hbm>>
    %dma_start3A_169 = tpu.memref_slice %arg2[%add3A_167] : memref<4194304xf32, #tpu.memory_space<hbm>> -> memref<16384xf32, #tpu.memory_space<hbm>>
    tpu.enqueue_dma source(%dma_start3A_169 : memref<16384xf32, #tpu.memory_space<hbm>>) target(%arg6 : memref<16384xf32, #tpu.memory_space<vmem>>) target_semaphore(%arg11 : memref<!tpu.dma_semaphore, #tpu.memory_space<semaphore_mem>>)
    %dma_start3A_170 = tpu.memref_slice %arg3[%add3A_167] : memref<4194304xi32, #tpu.memory_space<hbm>> -> memref<16384xi32, #tpu.memory_space<hbm>>
    %dma_start3A_171 = tpu.memref_slice %arg3[%add3A_167] : memref<4194304xi32, #tpu.memory_space<hbm>> -> memref<16384xi32, #tpu.memory_space<hbm>>
    tpu.enqueue_dma source(%dma_start3A_171 : memref<16384xi32, #tpu.memory_space<hbm>>) target(%arg8 : memref<16384xi32, #tpu.memory_space<vmem>>) target_semaphore(%arg13 : memref<!tpu.dma_semaphore, #tpu.memory_space<semaphore_mem>>)
    %dma_wait3A_172 = tpu.memref_slice %arg2[%add3A_153] : memref<4194304xf32, #tpu.memory_space<hbm>> -> memref<16384xf32, #tpu.memory_space<hbm>>
    %dma_wait3A_173 = tpu.memref_slice %arg2[%add3A_153] : memref<4194304xf32, #tpu.memory_space<hbm>> -> memref<16384xf32, #tpu.memory_space<hbm>>
    tpu.wait_dma2 semaphore(%arg10 : memref<!tpu.dma_semaphore, #tpu.memory_space<semaphore_mem>>) src(%dma_wait3A_173 : memref<16384xf32, #tpu.memory_space<hbm>>) dst(%arg5 : memref<16384xf32, #tpu.memory_space<vmem>>)
    %dma_wait3A_174 = tpu.memref_slice %arg3[%add3A_153] : memref<4194304xi32, #tpu.memory_space<hbm>> -> memref<16384xi32, #tpu.memory_space<hbm>>
    %dma_wait3A_175 = tpu.memref_slice %arg3[%add3A_153] : memref<4194304xi32, #tpu.memory_space<hbm>> -> memref<16384xi32, #tpu.memory_space<hbm>>
    tpu.wait_dma2 semaphore(%arg12 : memref<!tpu.dma_semaphore, #tpu.memory_space<semaphore_mem>>) src(%dma_wait3A_175 : memref<16384xi32, #tpu.memory_space<hbm>>) dst(%arg7 : memref<16384xi32, #tpu.memory_space<vmem>>)
    %parallel_loop3A_176 = arith.constant 0 : i32
    %parallel_loop3A_177 = arith.constant 1024 : i32
    %parallel_loop3A_178 = arith.constant 1 : i32
    %parallel_loop3A_179 = arith.constant 0x4B000000 : f32
    scf.for %parallel_loop3A_244 = %parallel_loop3A_176 to %parallel_loop3A_177 step %parallel_loop3A_178  : i32 {
      %parallel_loop3A_245 = arith.constant 16 : i32
      %parallel_loop3A_246 = arith.muli %parallel_loop3A_244, %parallel_loop3A_245 : i32
      %parallel_loop3A_247 = arith.index_cast %parallel_loop3A_246 : i32 to index
      %parallel_loop3A_248 = tpu.vector_load %arg5[%parallel_loop3A_247] {strides = array<i32>} : memref<16384xf32, #tpu.memory_space<vmem>>, vector<16xf32>,
      %parallel_loop3A_249 = arith.constant 1.280000e+02 : f32
      %parallel_loop3A_250 = vector.broadcast %parallel_loop3A_249 : f32 to vector<16xf32>
      %parallel_loop3A_251 = arith.mulf %parallel_loop3A_248, %parallel_loop3A_250 : vector<16xf32>
      %parallel_loop3A_252 = vector.broadcast %parallel_loop3A_179 : f32 to vector<16xf32>
      %parallel_loop3A_253 = arith.addf %parallel_loop3A_251, %parallel_loop3A_252 : vector<16xf32>
      %parallel_loop3A_254 = vector.bitcast %parallel_loop3A_253 : vector<16xf32> to vector<16xi32>
      %parallel_loop3A_255 = arith.constant 16 : i32
      %parallel_loop3A_256 = arith.muli %parallel_loop3A_244, %parallel_loop3A_255 : i32
      %parallel_loop3A_257 = arith.index_cast %parallel_loop3A_256 : i32 to index
      %parallel_loop3A_258 = tpu.vector_load %arg7[%parallel_loop3A_257] {strides = array<i32>} : memref<16384xi32, #tpu.memory_space<vmem>>, vector<16xi32>,
      %parallel_loop3A_259 = arith.constant 16 : i32
      %parallel_loop3A_260 = vector.broadcast %parallel_loop3A_259 : i32 to vector<16xi32>
      %parallel_loop3A_261 = arith.muli %parallel_loop3A_258, %parallel_loop3A_260 : vector<16xi32>
      %parallel_loop3A_262 = arith.addi %parallel_loop3A_261, %sub3A_132 : vector<16xi32>
      %parallel_loop3A_263 = arith.addi %parallel_loop3A_254, %parallel_loop3A_262 : vector<16xi32>
      tpu.vector_store_idx %arg9[%parallel_loop3A_263], %broadcast_in_dim3A_134 {add = true} : memref<1024xf32, #tpu.memory_space<vmem>>[vector<16xi32>], vector<16xf32>,
    } {sc.loop_unroll_factor = 4 : i64, sc.parallel_access}
    %add3A_180 = arith.constant 65536 : i32
    %add3A_181 = arith.addi %mul3A_2, %add3A_180 : i32
    %dma_start3A_182 = tpu.memref_slice %arg2[%add3A_181] : memref<4194304xf32, #tpu.memory_space<hbm>> -> memref<16384xf32, #tpu.memory_space<hbm>>
    %dma_start3A_183 = tpu.memref_slice %arg2[%add3A_181] : memref<4194304xf32, #tpu.memory_space<hbm>> -> memref<16384xf32, #tpu.memory_space<hbm>>
    tpu.enqueue_dma source(%dma_start3A_183 : memref<16384xf32, #tpu.memory_space<hbm>>) target(%arg5 : memref<16384xf32, #tpu.memory_space<vmem>>) target_semaphore(%arg10 : memref<!tpu.dma_semaphore, #tpu.memory_space<semaphore_mem>>)
    %dma_start3A_184 = tpu.memref_slice %arg3[%add3A_181] : memref<4194304xi32, #tpu.memory_space<hbm>> -> memref<16384xi32, #tpu.memory_space<hbm>>
    %dma_start3A_185 = tpu.memref_slice %arg3[%add3A_181] : memref<4194304xi32, #tpu.memory_space<hbm>> -> memref<16384xi32, #tpu.memory_space<hbm>>
    tpu.enqueue_dma source(%dma_start3A_185 : memref<16384xi32, #tpu.memory_space<hbm>>) target(%arg7 : memref<16384xi32, #tpu.memory_space<vmem>>) target_semaphore(%arg12 : memref<!tpu.dma_semaphore, #tpu.memory_space<semaphore_mem>>)
    %dma_wait3A_186 = tpu.memref_slice %arg2[%add3A_167] : memref<4194304xf32, #tpu.memory_space<hbm>> -> memref<16384xf32, #tpu.memory_space<hbm>>
    %dma_wait3A_187 = tpu.memref_slice %arg2[%add3A_167] : memref<4194304xf32, #tpu.memory_space<hbm>> -> memref<16384xf32, #tpu.memory_space<hbm>>
    tpu.wait_dma2 semaphore(%arg11 : memref<!tpu.dma_semaphore, #tpu.memory_space<semaphore_mem>>) src(%dma_wait3A_187 : memref<16384xf32, #tpu.memory_space<hbm>>) dst(%arg6 : memref<16384xf32, #tpu.memory_space<vmem>>)
    %dma_wait3A_188 = tpu.memref_slice %arg3[%add3A_167] : memref<4194304xi32, #tpu.memory_space<hbm>> -> memref<16384xi32, #tpu.memory_space<hbm>>
    %dma_wait3A_189 = tpu.memref_slice %arg3[%add3A_167] : memref<4194304xi32, #tpu.memory_space<hbm>> -> memref<16384xi32, #tpu.memory_space<hbm>>
    tpu.wait_dma2 semaphore(%arg13 : memref<!tpu.dma_semaphore, #tpu.memory_space<semaphore_mem>>) src(%dma_wait3A_189 : memref<16384xi32, #tpu.memory_space<hbm>>) dst(%arg8 : memref<16384xi32, #tpu.memory_space<vmem>>)
    %parallel_loop3A_190 = arith.constant 0 : i32
    %parallel_loop3A_191 = arith.constant 1024 : i32
    %parallel_loop3A_192 = arith.constant 1 : i32
    %parallel_loop3A_193 = arith.constant 0x4B000000 : f32
    scf.for %parallel_loop3A_244 = %parallel_loop3A_190 to %parallel_loop3A_191 step %parallel_loop3A_192  : i32 {
      %parallel_loop3A_245 = arith.constant 16 : i32
      %parallel_loop3A_246 = arith.muli %parallel_loop3A_244, %parallel_loop3A_245 : i32
      %parallel_loop3A_247 = arith.index_cast %parallel_loop3A_246 : i32 to index
      %parallel_loop3A_248 = tpu.vector_load %arg6[%parallel_loop3A_247] {strides = array<i32>} : memref<16384xf32, #tpu.memory_space<vmem>>, vector<16xf32>,
      %parallel_loop3A_249 = arith.constant 1.280000e+02 : f32
      %parallel_loop3A_250 = vector.broadcast %parallel_loop3A_249 : f32 to vector<16xf32>
      %parallel_loop3A_251 = arith.mulf %parallel_loop3A_248, %parallel_loop3A_250 : vector<16xf32>
      %parallel_loop3A_252 = vector.broadcast %parallel_loop3A_193 : f32 to vector<16xf32>
      %parallel_loop3A_253 = arith.addf %parallel_loop3A_251, %parallel_loop3A_252 : vector<16xf32>
      %parallel_loop3A_254 = vector.bitcast %parallel_loop3A_253 : vector<16xf32> to vector<16xi32>
      %parallel_loop3A_255 = arith.constant 16 : i32
      %parallel_loop3A_256 = arith.muli %parallel_loop3A_244, %parallel_loop3A_255 : i32
      %parallel_loop3A_257 = arith.index_cast %parallel_loop3A_256 : i32 to index
      %parallel_loop3A_258 = tpu.vector_load %arg8[%parallel_loop3A_257] {strides = array<i32>} : memref<16384xi32, #tpu.memory_space<vmem>>, vector<16xi32>,
      %parallel_loop3A_259 = arith.constant 16 : i32
      %parallel_loop3A_260 = vector.broadcast %parallel_loop3A_259 : i32 to vector<16xi32>
      %parallel_loop3A_261 = arith.muli %parallel_loop3A_258, %parallel_loop3A_260 : vector<16xi32>
      %parallel_loop3A_262 = arith.addi %parallel_loop3A_261, %sub3A_132 : vector<16xi32>
      %parallel_loop3A_263 = arith.addi %parallel_loop3A_254, %parallel_loop3A_262 : vector<16xi32>
      tpu.vector_store_idx %arg9[%parallel_loop3A_263], %broadcast_in_dim3A_134 {add = true} : memref<1024xf32, #tpu.memory_space<vmem>>[vector<16xi32>], vector<16xf32>,
    } {sc.loop_unroll_factor = 4 : i64, sc.parallel_access}
    %add3A_194 = arith.constant 81920 : i32
    %add3A_195 = arith.addi %mul3A_2, %add3A_194 : i32
    %dma_start3A_196 = tpu.memref_slice %arg2[%add3A_195] : memref<4194304xf32, #tpu.memory_space<hbm>> -> memref<16384xf32, #tpu.memory_space<hbm>>
    %dma_start3A_197 = tpu.memref_slice %arg2[%add3A_195] : memref<4194304xf32, #tpu.memory_space<hbm>> -> memref<16384xf32, #tpu.memory_space<hbm>>
    tpu.enqueue_dma source(%dma_start3A_197 : memref<16384xf32, #tpu.memory_space<hbm>>) target(%arg6 : memref<16384xf32, #tpu.memory_space<vmem>>) target_semaphore(%arg11 : memref<!tpu.dma_semaphore, #tpu.memory_space<semaphore_mem>>)
    %dma_start3A_198 = tpu.memref_slice %arg3[%add3A_195] : memref<4194304xi32, #tpu.memory_space<hbm>> -> memref<16384xi32, #tpu.memory_space<hbm>>
    %dma_start3A_199 = tpu.memref_slice %arg3[%add3A_195] : memref<4194304xi32, #tpu.memory_space<hbm>> -> memref<16384xi32, #tpu.memory_space<hbm>>
    tpu.enqueue_dma source(%dma_start3A_199 : memref<16384xi32, #tpu.memory_space<hbm>>) target(%arg8 : memref<16384xi32, #tpu.memory_space<vmem>>) target_semaphore(%arg13 : memref<!tpu.dma_semaphore, #tpu.memory_space<semaphore_mem>>)
    %dma_wait3A_200 = tpu.memref_slice %arg2[%add3A_181] : memref<4194304xf32, #tpu.memory_space<hbm>> -> memref<16384xf32, #tpu.memory_space<hbm>>
    %dma_wait3A_201 = tpu.memref_slice %arg2[%add3A_181] : memref<4194304xf32, #tpu.memory_space<hbm>> -> memref<16384xf32, #tpu.memory_space<hbm>>
    tpu.wait_dma2 semaphore(%arg10 : memref<!tpu.dma_semaphore, #tpu.memory_space<semaphore_mem>>) src(%dma_wait3A_201 : memref<16384xf32, #tpu.memory_space<hbm>>) dst(%arg5 : memref<16384xf32, #tpu.memory_space<vmem>>)
    %dma_wait3A_202 = tpu.memref_slice %arg3[%add3A_181] : memref<4194304xi32, #tpu.memory_space<hbm>> -> memref<16384xi32, #tpu.memory_space<hbm>>
    %dma_wait3A_203 = tpu.memref_slice %arg3[%add3A_181] : memref<4194304xi32, #tpu.memory_space<hbm>> -> memref<16384xi32, #tpu.memory_space<hbm>>
    tpu.wait_dma2 semaphore(%arg12 : memref<!tpu.dma_semaphore, #tpu.memory_space<semaphore_mem>>) src(%dma_wait3A_203 : memref<16384xi32, #tpu.memory_space<hbm>>) dst(%arg7 : memref<16384xi32, #tpu.memory_space<vmem>>)
    %parallel_loop3A_204 = arith.constant 0 : i32
    %parallel_loop3A_205 = arith.constant 1024 : i32
    %parallel_loop3A_206 = arith.constant 1 : i32
    %parallel_loop3A_207 = arith.constant 0x4B000000 : f32
    scf.for %parallel_loop3A_244 = %parallel_loop3A_204 to %parallel_loop3A_205 step %parallel_loop3A_206  : i32 {
      %parallel_loop3A_245 = arith.constant 16 : i32
      %parallel_loop3A_246 = arith.muli %parallel_loop3A_244, %parallel_loop3A_245 : i32
      %parallel_loop3A_247 = arith.index_cast %parallel_loop3A_246 : i32 to index
      %parallel_loop3A_248 = tpu.vector_load %arg5[%parallel_loop3A_247] {strides = array<i32>} : memref<16384xf32, #tpu.memory_space<vmem>>, vector<16xf32>,
      %parallel_loop3A_249 = arith.constant 1.280000e+02 : f32
      %parallel_loop3A_250 = vector.broadcast %parallel_loop3A_249 : f32 to vector<16xf32>
      %parallel_loop3A_251 = arith.mulf %parallel_loop3A_248, %parallel_loop3A_250 : vector<16xf32>
      %parallel_loop3A_252 = vector.broadcast %parallel_loop3A_207 : f32 to vector<16xf32>
      %parallel_loop3A_253 = arith.addf %parallel_loop3A_251, %parallel_loop3A_252 : vector<16xf32>
      %parallel_loop3A_254 = vector.bitcast %parallel_loop3A_253 : vector<16xf32> to vector<16xi32>
      %parallel_loop3A_255 = arith.constant 16 : i32
      %parallel_loop3A_256 = arith.muli %parallel_loop3A_244, %parallel_loop3A_255 : i32
      %parallel_loop3A_257 = arith.index_cast %parallel_loop3A_256 : i32 to index
      %parallel_loop3A_258 = tpu.vector_load %arg7[%parallel_loop3A_257] {strides = array<i32>} : memref<16384xi32, #tpu.memory_space<vmem>>, vector<16xi32>,
      %parallel_loop3A_259 = arith.constant 16 : i32
      %parallel_loop3A_260 = vector.broadcast %parallel_loop3A_259 : i32 to vector<16xi32>
      %parallel_loop3A_261 = arith.muli %parallel_loop3A_258, %parallel_loop3A_260 : vector<16xi32>
      %parallel_loop3A_262 = arith.addi %parallel_loop3A_261, %sub3A_132 : vector<16xi32>
      %parallel_loop3A_263 = arith.addi %parallel_loop3A_254, %parallel_loop3A_262 : vector<16xi32>
      tpu.vector_store_idx %arg9[%parallel_loop3A_263], %broadcast_in_dim3A_134 {add = true} : memref<1024xf32, #tpu.memory_space<vmem>>[vector<16xi32>], vector<16xf32>,
    } {sc.loop_unroll_factor = 4 : i64, sc.parallel_access}
    %add3A_208 = arith.constant 98304 : i32
    %add3A_209 = arith.addi %mul3A_2, %add3A_208 : i32
    %dma_start3A_210 = tpu.memref_slice %arg2[%add3A_209] : memref<4194304xf32, #tpu.memory_space<hbm>> -> memref<16384xf32, #tpu.memory_space<hbm>>
    %dma_start3A_211 = tpu.memref_slice %arg2[%add3A_209] : memref<4194304xf32, #tpu.memory_space<hbm>> -> memref<16384xf32, #tpu.memory_space<hbm>>
    tpu.enqueue_dma source(%dma_start3A_211 : memref<16384xf32, #tpu.memory_space<hbm>>) target(%arg5 : memref<16384xf32, #tpu.memory_space<vmem>>) target_semaphore(%arg10 : memref<!tpu.dma_semaphore, #tpu.memory_space<semaphore_mem>>)
    %dma_start3A_212 = tpu.memref_slice %arg3[%add3A_209] : memref<4194304xi32, #tpu.memory_space<hbm>> -> memref<16384xi32, #tpu.memory_space<hbm>>
    %dma_start3A_213 = tpu.memref_slice %arg3[%add3A_209] : memref<4194304xi32, #tpu.memory_space<hbm>> -> memref<16384xi32, #tpu.memory_space<hbm>>
    tpu.enqueue_dma source(%dma_start3A_213 : memref<16384xi32, #tpu.memory_space<hbm>>) target(%arg7 : memref<16384xi32, #tpu.memory_space<vmem>>) target_semaphore(%arg12 : memref<!tpu.dma_semaphore, #tpu.memory_space<semaphore_mem>>)
    %dma_wait3A_214 = tpu.memref_slice %arg2[%add3A_195] : memref<4194304xf32, #tpu.memory_space<hbm>> -> memref<16384xf32, #tpu.memory_space<hbm>>
    %dma_wait3A_215 = tpu.memref_slice %arg2[%add3A_195] : memref<4194304xf32, #tpu.memory_space<hbm>> -> memref<16384xf32, #tpu.memory_space<hbm>>
    tpu.wait_dma2 semaphore(%arg11 : memref<!tpu.dma_semaphore, #tpu.memory_space<semaphore_mem>>) src(%dma_wait3A_215 : memref<16384xf32, #tpu.memory_space<hbm>>) dst(%arg6 : memref<16384xf32, #tpu.memory_space<vmem>>)
    %dma_wait3A_216 = tpu.memref_slice %arg3[%add3A_195] : memref<4194304xi32, #tpu.memory_space<hbm>> -> memref<16384xi32, #tpu.memory_space<hbm>>
    %dma_wait3A_217 = tpu.memref_slice %arg3[%add3A_195] : memref<4194304xi32, #tpu.memory_space<hbm>> -> memref<16384xi32, #tpu.memory_space<hbm>>
    tpu.wait_dma2 semaphore(%arg13 : memref<!tpu.dma_semaphore, #tpu.memory_space<semaphore_mem>>) src(%dma_wait3A_217 : memref<16384xi32, #tpu.memory_space<hbm>>) dst(%arg8 : memref<16384xi32, #tpu.memory_space<vmem>>)
    %parallel_loop3A_218 = arith.constant 0 : i32
    %parallel_loop3A_219 = arith.constant 1024 : i32
    %parallel_loop3A_220 = arith.constant 1 : i32
    %parallel_loop3A_221 = arith.constant 0x4B000000 : f32
    scf.for %parallel_loop3A_244 = %parallel_loop3A_218 to %parallel_loop3A_219 step %parallel_loop3A_220  : i32 {
      %parallel_loop3A_245 = arith.constant 16 : i32
      %parallel_loop3A_246 = arith.muli %parallel_loop3A_244, %parallel_loop3A_245 : i32
      %parallel_loop3A_247 = arith.index_cast %parallel_loop3A_246 : i32 to index
      %parallel_loop3A_248 = tpu.vector_load %arg6[%parallel_loop3A_247] {strides = array<i32>} : memref<16384xf32, #tpu.memory_space<vmem>>, vector<16xf32>,
      %parallel_loop3A_249 = arith.constant 1.280000e+02 : f32
      %parallel_loop3A_250 = vector.broadcast %parallel_loop3A_249 : f32 to vector<16xf32>
      %parallel_loop3A_251 = arith.mulf %parallel_loop3A_248, %parallel_loop3A_250 : vector<16xf32>
      %parallel_loop3A_252 = vector.broadcast %parallel_loop3A_221 : f32 to vector<16xf32>
      %parallel_loop3A_253 = arith.addf %parallel_loop3A_251, %parallel_loop3A_252 : vector<16xf32>
      %parallel_loop3A_254 = vector.bitcast %parallel_loop3A_253 : vector<16xf32> to vector<16xi32>
      %parallel_loop3A_255 = arith.constant 16 : i32
      %parallel_loop3A_256 = arith.muli %parallel_loop3A_244, %parallel_loop3A_255 : i32
      %parallel_loop3A_257 = arith.index_cast %parallel_loop3A_256 : i32 to index
      %parallel_loop3A_258 = tpu.vector_load %arg8[%parallel_loop3A_257] {strides = array<i32>} : memref<16384xi32, #tpu.memory_space<vmem>>, vector<16xi32>,
      %parallel_loop3A_259 = arith.constant 16 : i32
      %parallel_loop3A_260 = vector.broadcast %parallel_loop3A_259 : i32 to vector<16xi32>
      %parallel_loop3A_261 = arith.muli %parallel_loop3A_258, %parallel_loop3A_260 : vector<16xi32>
      %parallel_loop3A_262 = arith.addi %parallel_loop3A_261, %sub3A_132 : vector<16xi32>
      %parallel_loop3A_263 = arith.addi %parallel_loop3A_254, %parallel_loop3A_262 : vector<16xi32>
      tpu.vector_store_idx %arg9[%parallel_loop3A_263], %broadcast_in_dim3A_134 {add = true} : memref<1024xf32, #tpu.memory_space<vmem>>[vector<16xi32>], vector<16xf32>,
    } {sc.loop_unroll_factor = 4 : i64, sc.parallel_access}
    %add3A_222 = arith.constant 114688 : i32
    %add3A_223 = arith.addi %mul3A_2, %add3A_222 : i32
    %dma_start3A_224 = tpu.memref_slice %arg2[%add3A_223] : memref<4194304xf32, #tpu.memory_space<hbm>> -> memref<16384xf32, #tpu.memory_space<hbm>>
    %dma_start3A_225 = tpu.memref_slice %arg2[%add3A_223] : memref<4194304xf32, #tpu.memory_space<hbm>> -> memref<16384xf32, #tpu.memory_space<hbm>>
    tpu.enqueue_dma source(%dma_start3A_225 : memref<16384xf32, #tpu.memory_space<hbm>>) target(%arg6 : memref<16384xf32, #tpu.memory_space<vmem>>) target_semaphore(%arg11 : memref<!tpu.dma_semaphore, #tpu.memory_space<semaphore_mem>>)
    %dma_start3A_226 = tpu.memref_slice %arg3[%add3A_223] : memref<4194304xi32, #tpu.memory_space<hbm>> -> memref<16384xi32, #tpu.memory_space<hbm>>
    %dma_start3A_227 = tpu.memref_slice %arg3[%add3A_223] : memref<4194304xi32, #tpu.memory_space<hbm>> -> memref<16384xi32, #tpu.memory_space<hbm>>
    tpu.enqueue_dma source(%dma_start3A_227 : memref<16384xi32, #tpu.memory_space<hbm>>) target(%arg8 : memref<16384xi32, #tpu.memory_space<vmem>>) target_semaphore(%arg13 : memref<!tpu.dma_semaphore, #tpu.memory_space<semaphore_mem>>)
    %dma_wait3A_228 = tpu.memref_slice %arg2[%add3A_209] : memref<4194304xf32, #tpu.memory_space<hbm>> -> memref<16384xf32, #tpu.memory_space<hbm>>
    %dma_wait3A_229 = tpu.memref_slice %arg2[%add3A_209] : memref<4194304xf32, #tpu.memory_space<hbm>> -> memref<16384xf32, #tpu.memory_space<hbm>>
    tpu.wait_dma2 semaphore(%arg10 : memref<!tpu.dma_semaphore, #tpu.memory_space<semaphore_mem>>) src(%dma_wait3A_229 : memref<16384xf32, #tpu.memory_space<hbm>>) dst(%arg5 : memref<16384xf32, #tpu.memory_space<vmem>>)
    %dma_wait3A_230 = tpu.memref_slice %arg3[%add3A_209] : memref<4194304xi32, #tpu.memory_space<hbm>> -> memref<16384xi32, #tpu.memory_space<hbm>>
    %dma_wait3A_231 = tpu.memref_slice %arg3[%add3A_209] : memref<4194304xi32, #tpu.memory_space<hbm>> -> memref<16384xi32, #tpu.memory_space<hbm>>
    tpu.wait_dma2 semaphore(%arg12 : memref<!tpu.dma_semaphore, #tpu.memory_space<semaphore_mem>>) src(%dma_wait3A_231 : memref<16384xi32, #tpu.memory_space<hbm>>) dst(%arg7 : memref<16384xi32, #tpu.memory_space<vmem>>)
    %parallel_loop3A_232 = arith.constant 0 : i32
    %parallel_loop3A_233 = arith.constant 1024 : i32
    %parallel_loop3A_234 = arith.constant 1 : i32
    %parallel_loop3A_235 = arith.constant 0x4B000000 : f32
    scf.for %parallel_loop3A_244 = %parallel_loop3A_232 to %parallel_loop3A_233 step %parallel_loop3A_234  : i32 {
      %parallel_loop3A_245 = arith.constant 16 : i32
      %parallel_loop3A_246 = arith.muli %parallel_loop3A_244, %parallel_loop3A_245 : i32
      %parallel_loop3A_247 = arith.index_cast %parallel_loop3A_246 : i32 to index
      %parallel_loop3A_248 = tpu.vector_load %arg5[%parallel_loop3A_247] {strides = array<i32>} : memref<16384xf32, #tpu.memory_space<vmem>>, vector<16xf32>,
      %parallel_loop3A_249 = arith.constant 1.280000e+02 : f32
      %parallel_loop3A_250 = vector.broadcast %parallel_loop3A_249 : f32 to vector<16xf32>
      %parallel_loop3A_251 = arith.mulf %parallel_loop3A_248, %parallel_loop3A_250 : vector<16xf32>
      %parallel_loop3A_252 = vector.broadcast %parallel_loop3A_235 : f32 to vector<16xf32>
      %parallel_loop3A_253 = arith.addf %parallel_loop3A_251, %parallel_loop3A_252 : vector<16xf32>
      %parallel_loop3A_254 = vector.bitcast %parallel_loop3A_253 : vector<16xf32> to vector<16xi32>
      %parallel_loop3A_255 = arith.constant 16 : i32
      %parallel_loop3A_256 = arith.muli %parallel_loop3A_244, %parallel_loop3A_255 : i32
      %parallel_loop3A_257 = arith.index_cast %parallel_loop3A_256 : i32 to index
      %parallel_loop3A_258 = tpu.vector_load %arg7[%parallel_loop3A_257] {strides = array<i32>} : memref<16384xi32, #tpu.memory_space<vmem>>, vector<16xi32>,
      %parallel_loop3A_259 = arith.constant 16 : i32
      %parallel_loop3A_260 = vector.broadcast %parallel_loop3A_259 : i32 to vector<16xi32>
      %parallel_loop3A_261 = arith.muli %parallel_loop3A_258, %parallel_loop3A_260 : vector<16xi32>
      %parallel_loop3A_262 = arith.addi %parallel_loop3A_261, %sub3A_132 : vector<16xi32>
      %parallel_loop3A_263 = arith.addi %parallel_loop3A_254, %parallel_loop3A_262 : vector<16xi32>
      tpu.vector_store_idx %arg9[%parallel_loop3A_263], %broadcast_in_dim3A_134 {add = true} : memref<1024xf32, #tpu.memory_space<vmem>>[vector<16xi32>], vector<16xf32>,
    } {sc.loop_unroll_factor = 4 : i64, sc.parallel_access}
    %dma_wait3A_236 = tpu.memref_slice %arg2[%add3A_223] : memref<4194304xf32, #tpu.memory_space<hbm>> -> memref<16384xf32, #tpu.memory_space<hbm>>
    %dma_wait3A_237 = tpu.memref_slice %arg2[%add3A_223] : memref<4194304xf32, #tpu.memory_space<hbm>> -> memref<16384xf32, #tpu.memory_space<hbm>>
    tpu.wait_dma2 semaphore(%arg11 : memref<!tpu.dma_semaphore, #tpu.memory_space<semaphore_mem>>) src(%dma_wait3A_237 : memref<16384xf32, #tpu.memory_space<hbm>>) dst(%arg6 : memref<16384xf32, #tpu.memory_space<vmem>>)
    %dma_wait3A_238 = tpu.memref_slice %arg3[%add3A_223] : memref<4194304xi32, #tpu.memory_space<hbm>> -> memref<16384xi32, #tpu.memory_space<hbm>>
    %dma_wait3A_239 = tpu.memref_slice %arg3[%add3A_223] : memref<4194304xi32, #tpu.memory_space<hbm>> -> memref<16384xi32, #tpu.memory_space<hbm>>
    tpu.wait_dma2 semaphore(%arg13 : memref<!tpu.dma_semaphore, #tpu.memory_space<semaphore_mem>>) src(%dma_wait3A_239 : memref<16384xi32, #tpu.memory_space<hbm>>) dst(%arg8 : memref<16384xi32, #tpu.memory_space<vmem>>)
    %parallel_loop3A_240 = arith.constant 0 : i32
    %parallel_loop3A_241 = arith.constant 1024 : i32
    %parallel_loop3A_242 = arith.constant 1 : i32
    %parallel_loop3A_243 = arith.constant 0x4B000000 : f32
    scf.for %parallel_loop3A_244 = %parallel_loop3A_240 to %parallel_loop3A_241 step %parallel_loop3A_242  : i32 {
      %parallel_loop3A_245 = arith.constant 16 : i32
      %parallel_loop3A_246 = arith.muli %parallel_loop3A_244, %parallel_loop3A_245 : i32
      %parallel_loop3A_247 = arith.index_cast %parallel_loop3A_246 : i32 to index
      %parallel_loop3A_248 = tpu.vector_load %arg6[%parallel_loop3A_247] {strides = array<i32>} : memref<16384xf32, #tpu.memory_space<vmem>>, vector<16xf32>,
      %parallel_loop3A_249 = arith.constant 1.280000e+02 : f32
      %parallel_loop3A_250 = vector.broadcast %parallel_loop3A_249 : f32 to vector<16xf32>
      %parallel_loop3A_251 = arith.mulf %parallel_loop3A_248, %parallel_loop3A_250 : vector<16xf32>
      %parallel_loop3A_252 = vector.broadcast %parallel_loop3A_243 : f32 to vector<16xf32>
      %parallel_loop3A_253 = arith.addf %parallel_loop3A_251, %parallel_loop3A_252 : vector<16xf32>
      %parallel_loop3A_254 = vector.bitcast %parallel_loop3A_253 : vector<16xf32> to vector<16xi32>
      %parallel_loop3A_255 = arith.constant 16 : i32
      %parallel_loop3A_256 = arith.muli %parallel_loop3A_244, %parallel_loop3A_255 : i32
      %parallel_loop3A_257 = arith.index_cast %parallel_loop3A_256 : i32 to index
      %parallel_loop3A_258 = tpu.vector_load %arg8[%parallel_loop3A_257] {strides = array<i32>} : memref<16384xi32, #tpu.memory_space<vmem>>, vector<16xi32>,
      %parallel_loop3A_259 = arith.constant 16 : i32
      %parallel_loop3A_260 = vector.broadcast %parallel_loop3A_259 : i32 to vector<16xi32>
      %parallel_loop3A_261 = arith.muli %parallel_loop3A_258, %parallel_loop3A_260 : vector<16xi32>
      %parallel_loop3A_262 = arith.addi %parallel_loop3A_261, %sub3A_132 : vector<16xi32>
      %parallel_loop3A_263 = arith.addi %parallel_loop3A_254, %parallel_loop3A_262 : vector<16xi32>
      tpu.vector_store_idx %arg9[%parallel_loop3A_263], %broadcast_in_dim3A_134 {add = true} : memref<1024xf32, #tpu.memory_space<vmem>>[vector<16xi32>], vector<16xf32>,
    } {sc.loop_unroll_factor = 4 : i64, sc.parallel_access}
    "tpu.region"() ({
      %run_scoped3A = tpu.sem_alloc : memref<!tpu.dma_semaphore, #tpu.memory_space<semaphore_mem>>
      %dma_start3A_244 = arith.constant 0 : i32
      %dma_start3A_245 = tpu.memref_slice %arg4[%add3A, %dma_start3A_244] : memref<32x1024xf32, #tpu.memory_space<hbm>> -> memref<1x1024xf32, #tpu.memory_space<hbm>>
      %dma_start3A_246 = tpu.memref_squeeze %dma_start3A_245 : memref<1x1024xf32, #tpu.memory_space<hbm>> -> memref<1024xf32, #tpu.memory_space<hbm>>
      %dma_start3A_247 = arith.constant 0 : i32
      %dma_start3A_248 = tpu.memref_slice %arg4[%add3A, %dma_start3A_247] : memref<32x1024xf32, #tpu.memory_space<hbm>> -> memref<1x1024xf32, #tpu.memory_space<hbm>>
      %dma_start3A_249 = tpu.memref_squeeze %dma_start3A_248 : memref<1x1024xf32, #tpu.memory_space<hbm>> -> memref<1024xf32, #tpu.memory_space<hbm>>
      tpu.enqueue_dma source(%arg9 : memref<1024xf32, #tpu.memory_space<vmem>>) target(%dma_start3A_249 : memref<1024xf32, #tpu.memory_space<hbm>>) target_semaphore(%run_scoped3A : memref<!tpu.dma_semaphore, #tpu.memory_space<semaphore_mem>>)
      %dma_wait3A_250 = arith.constant 0 : i32
      %dma_wait3A_251 = tpu.memref_slice %arg4[%add3A, %dma_wait3A_250] : memref<32x1024xf32, #tpu.memory_space<hbm>> -> memref<1x1024xf32, #tpu.memory_space<hbm>>
      %dma_wait3A_252 = tpu.memref_squeeze %dma_wait3A_251 : memref<1x1024xf32, #tpu.memory_space<hbm>> -> memref<1024xf32, #tpu.memory_space<hbm>>
      %dma_wait3A_253 = arith.constant 0 : i32
      %dma_wait3A_254 = tpu.memref_slice %arg4[%add3A, %dma_wait3A_253] : memref<32x1024xf32, #tpu.memory_space<hbm>> -> memref<1x1024xf32, #tpu.memory_space<hbm>>
      %dma_wait3A_255 = tpu.memref_squeeze %dma_wait3A_254 : memref<1x1024xf32, #tpu.memory_space<hbm>> -> memref<1024xf32, #tpu.memory_space<hbm>>
      tpu.wait_dma2 semaphore(%run_scoped3A : memref<!tpu.dma_semaphore, #tpu.memory_space<semaphore_mem>>) src(%arg9 : memref<1024xf32, #tpu.memory_space<vmem>>) dst(%dma_wait3A_255 : memref<1024xf32, #tpu.memory_space<hbm>>)
      tpu.yield
    }) : () -> ()
    return
  }
}

module attributes {stable_mosaic.version = 14 : i64} {
  func.func @_tc_dice_finish(%arg0: memref<32x1024xf32, #tpu.memory_space<vmem>>, %arg1: memref<1x1xf32, #tpu.memory_space<smem>>) attributes {dimension_semantics = [], scalar_prefetch = 0 : i64, scratch_operands = 0 : i64, tpu.core_type = #tpu.core_type<tc>} {
    %get3A = arith.constant 0 : index
    %get3A_0 = arith.constant 0 : index
    %get3A_1 = vector.load %arg0[%get3A, %get3A_0] : memref<32x1024xf32, #tpu.memory_space<vmem>>, vector<32x1024xf32>
    %iota3A = tpu.iota {dimensions = array<i32: 1>} : vector<16x1024xi32>
    %jit3A = arith.constant 16 : i32
    %div3A = vector.broadcast %jit3A : i32 to vector<16x1024xi32>
    %div3A_2 = arith.divsi %iota3A, %div3A : vector<16x1024xi32>
    %sign3A = arith.constant 0 : i32
    %sign3A_3 = vector.broadcast %sign3A : i32 to vector<16x1024xi32>
    %sign3A_4 = arith.cmpi sgt, %iota3A, %sign3A_3 : vector<16x1024xi32>
    %sign3A_5 = arith.extui %sign3A_4 : vector<16x1024xi1> to vector<16x1024xi32>
    %sign3A_6 = arith.constant 0 : i32
    %sign3A_7 = vector.broadcast %sign3A_6 : i32 to vector<16x1024xi32>
    %sign3A_8 = arith.cmpi slt, %iota3A, %sign3A_7 : vector<16x1024xi32>
    %sign3A_9 = arith.extui %sign3A_8 : vector<16x1024xi1> to vector<16x1024xi32>
    %sign3A_10 = arith.subi %sign3A_5, %sign3A_9 : vector<16x1024xi32>
    %sign3A_11 = arith.constant 0 : i32
    %sign3A_12 = arith.cmpi sgt, %jit3A, %sign3A_11 : i32
    %sign3A_13 = arith.extui %sign3A_12 : i1 to i32
    %sign3A_14 = arith.constant 0 : i32
    %sign3A_15 = arith.cmpi slt, %jit3A, %sign3A_14 : i32
    %sign3A_16 = arith.extui %sign3A_15 : i1 to i32
    %sign3A_17 = arith.subi %sign3A_13, %sign3A_16 : i32
    %ne3A = vector.broadcast %sign3A_17 : i32 to vector<16x1024xi32>
    %ne3A_18 = arith.cmpi ne, %sign3A_10, %ne3A : vector<16x1024xi32>
    %rem3A = vector.broadcast %jit3A : i32 to vector<16x1024xi32>
    %rem3A_19 = arith.remsi %iota3A, %rem3A : vector<16x1024xi32>
    %ne3A_20 = arith.constant 0 : i32
    %ne3A_21 = vector.broadcast %ne3A_20 : i32 to vector<16x1024xi32>
    %ne3A_22 = arith.cmpi ne, %rem3A_19, %ne3A_21 : vector<16x1024xi32>
    %and3A = arith.andi %ne3A_18, %ne3A_22 : vector<16x1024xi1>
    %sub3A = arith.constant 1 : i32
    %sub3A_23 = vector.broadcast %sub3A : i32 to vector<16x1024xi32>
    %sub3A_24 = arith.subi %div3A_2, %sub3A_23 : vector<16x1024xi32>
    %select_n3A = arith.select %and3A, %sub3A_24, %div3A_2 : vector<16x1024xi1>, vector<16x1024xi32>
    %jit3A_25 = arith.constant 8 : i32
    %div3A_26 = vector.broadcast %jit3A_25 : i32 to vector<16x1024xi32>
    %div3A_27 = arith.divsi %select_n3A, %div3A_26 : vector<16x1024xi32>
    %sign3A_28 = arith.constant 0 : i32
    %sign3A_29 = vector.broadcast %sign3A_28 : i32 to vector<16x1024xi32>
    %sign3A_30 = arith.cmpi sgt, %select_n3A, %sign3A_29 : vector<16x1024xi32>
    %sign3A_31 = arith.extui %sign3A_30 : vector<16x1024xi1> to vector<16x1024xi32>
    %sign3A_32 = arith.constant 0 : i32
    %sign3A_33 = vector.broadcast %sign3A_32 : i32 to vector<16x1024xi32>
    %sign3A_34 = arith.cmpi slt, %select_n3A, %sign3A_33 : vector<16x1024xi32>
    %sign3A_35 = arith.extui %sign3A_34 : vector<16x1024xi1> to vector<16x1024xi32>
    %sign3A_36 = arith.subi %sign3A_31, %sign3A_35 : vector<16x1024xi32>
    %sign3A_37 = arith.constant 0 : i32
    %sign3A_38 = arith.cmpi sgt, %jit3A_25, %sign3A_37 : i32
    %sign3A_39 = arith.extui %sign3A_38 : i1 to i32
    %sign3A_40 = arith.constant 0 : i32
    %sign3A_41 = arith.cmpi slt, %jit3A_25, %sign3A_40 : i32
    %sign3A_42 = arith.extui %sign3A_41 : i1 to i32
    %sign3A_43 = arith.subi %sign3A_39, %sign3A_42 : i32
    %ne3A_44 = vector.broadcast %sign3A_43 : i32 to vector<16x1024xi32>
    %ne3A_45 = arith.cmpi ne, %sign3A_36, %ne3A_44 : vector<16x1024xi32>
    %rem3A_46 = vector.broadcast %jit3A_25 : i32 to vector<16x1024xi32>
    %rem3A_47 = arith.remsi %select_n3A, %rem3A_46 : vector<16x1024xi32>
    %ne3A_48 = arith.constant 0 : i32
    %ne3A_49 = vector.broadcast %ne3A_48 : i32 to vector<16x1024xi32>
    %ne3A_50 = arith.cmpi ne, %rem3A_47, %ne3A_49 : vector<16x1024xi32>
    %and3A_51 = arith.andi %ne3A_45, %ne3A_50 : vector<16x1024xi1>
    %sub3A_52 = arith.constant 1 : i32
    %sub3A_53 = vector.broadcast %sub3A_52 : i32 to vector<16x1024xi32>
    %sub3A_54 = arith.subi %div3A_27, %sub3A_53 : vector<16x1024xi32>
    %select_n3A_55 = arith.select %and3A_51, %sub3A_54, %div3A_27 : vector<16x1024xi1>, vector<16x1024xi32>
    %mul3A = arith.constant 8 : i32
    %mul3A_56 = vector.broadcast %mul3A : i32 to vector<16x1024xi32>
    %mul3A_57 = arith.muli %select_n3A_55, %mul3A_56 : vector<16x1024xi32>
    %sub3A_58 = arith.subi %select_n3A, %mul3A_57 : vector<16x1024xi32>
    %broadcast_in_dim3A = arith.constant 0.000000e+00 : f32
    %broadcast_in_dim3A_59 = vector.broadcast %broadcast_in_dim3A : f32 to vector<16x1024xf32>
    %slice3A = vector.extract_strided_slice %get3A_1 {offsets = [0, 0], sizes = [16, 1024], strides = [1, 1]} : vector<32x1024xf32> to vector<16x1024xf32>
    %eq3A = arith.constant 0 : i32
    %eq3A_60 = vector.broadcast %eq3A : i32 to vector<16x1024xi32>
    %eq3A_61 = arith.cmpi eq, %select_n3A, %eq3A_60 : vector<16x1024xi32>
    %select_n3A_62 = arith.select %eq3A_61, %slice3A, %broadcast_in_dim3A_59 : vector<16x1024xi1>, vector<16x1024xf32>
    %reduce_sum3A = vector.shape_cast %select_n3A_62 : vector<16x1024xf32> to vector<1x16x1024xf32>
    %reduce_sum3A_63 = arith.constant dense<0.000000e+00> : vector<1xf32>
    %reduce_sum3A_64 = vector.multi_reduction <add>, %reduce_sum3A, %reduce_sum3A_63 [1, 2] : vector<1x16x1024xf32> to vector<1xf32>
    %reduce_sum3A_65 = vector.shape_cast %reduce_sum3A_64 : vector<1xf32> to vector<1x1x1xf32>
    %reduce_sum3A_66 = vector.extract %reduce_sum3A_65[0, 0, 0] : f32 from vector<1x1x1xf32>
    %eq3A_67 = arith.constant 0 : i32
    %eq3A_68 = vector.broadcast %eq3A_67 : i32 to vector<16x1024xi32>
    %eq3A_69 = arith.cmpi eq, %select_n3A_55, %eq3A_68 : vector<16x1024xi32>
    %select_n3A_70 = arith.select %eq3A_69, %slice3A, %broadcast_in_dim3A_59 : vector<16x1024xi1>, vector<16x1024xf32>
    %reduce_sum3A_71 = vector.shape_cast %select_n3A_70 : vector<16x1024xf32> to vector<1x16x1024xf32>
    %reduce_sum3A_72 = arith.constant dense<0.000000e+00> : vector<1xf32>
    %reduce_sum3A_73 = vector.multi_reduction <add>, %reduce_sum3A_71, %reduce_sum3A_72 [1, 2] : vector<1x16x1024xf32> to vector<1xf32>
    %reduce_sum3A_74 = vector.shape_cast %reduce_sum3A_73 : vector<1xf32> to vector<1x1x1xf32>
    %reduce_sum3A_75 = vector.extract %reduce_sum3A_74[0, 0, 0] : f32 from vector<1x1x1xf32>
    %eq3A_76 = arith.constant 0 : i32
    %eq3A_77 = vector.broadcast %eq3A_76 : i32 to vector<16x1024xi32>
    %eq3A_78 = arith.cmpi eq, %sub3A_58, %eq3A_77 : vector<16x1024xi32>
    %select_n3A_79 = arith.select %eq3A_78, %slice3A, %broadcast_in_dim3A_59 : vector<16x1024xi1>, vector<16x1024xf32>
    %reduce_sum3A_80 = vector.shape_cast %select_n3A_79 : vector<16x1024xf32> to vector<1x16x1024xf32>
    %reduce_sum3A_81 = arith.constant dense<0.000000e+00> : vector<1xf32>
    %reduce_sum3A_82 = vector.multi_reduction <add>, %reduce_sum3A_80, %reduce_sum3A_81 [1, 2] : vector<1x16x1024xf32> to vector<1xf32>
    %reduce_sum3A_83 = vector.shape_cast %reduce_sum3A_82 : vector<1xf32> to vector<1x1x1xf32>
    %reduce_sum3A_84 = vector.extract %reduce_sum3A_83[0, 0, 0] : f32 from vector<1x1x1xf32>
    %mul3A_85 = arith.constant 2.000000e+00 : f32
    %mul3A_86 = arith.mulf %mul3A_85, %reduce_sum3A_66 : f32
    %add3A = arith.constant 1.000000e-07 : f32
    %add3A_87 = arith.addf %mul3A_86, %add3A : f32
    %add3A_88 = arith.addf %reduce_sum3A_75, %reduce_sum3A_84 : f32
    %add3A_89 = arith.constant 2.000000e-07 : f32
    %add3A_90 = arith.addf %add3A_88, %add3A_89 : f32
    %div3A_91 = arith.divf %add3A_87, %add3A_90 : f32
    %add3A_92 = arith.constant 0.000000e+00 : f32
    %add3A_93 = arith.addf %add3A_92, %div3A_91 : f32
    %eq3A_94 = arith.constant 9 : i32
    %eq3A_95 = vector.broadcast %eq3A_94 : i32 to vector<16x1024xi32>
    %eq3A_96 = arith.cmpi eq, %select_n3A, %eq3A_95 : vector<16x1024xi32>
    %select_n3A_97 = arith.select %eq3A_96, %slice3A, %broadcast_in_dim3A_59 : vector<16x1024xi1>, vector<16x1024xf32>
    %reduce_sum3A_98 = vector.shape_cast %select_n3A_97 : vector<16x1024xf32> to vector<1x16x1024xf32>
    %reduce_sum3A_99 = arith.constant dense<0.000000e+00> : vector<1xf32>
    %reduce_sum3A_100 = vector.multi_reduction <add>, %reduce_sum3A_98, %reduce_sum3A_99 [1, 2] : vector<1x16x1024xf32> to vector<1xf32>
    %reduce_sum3A_101 = vector.shape_cast %reduce_sum3A_100 : vector<1xf32> to vector<1x1x1xf32>
    %reduce_sum3A_102 = vector.extract %reduce_sum3A_101[0, 0, 0] : f32 from vector<1x1x1xf32>
    %eq3A_103 = arith.constant 1 : i32
    %eq3A_104 = vector.broadcast %eq3A_103 : i32 to vector<16x1024xi32>
    %eq3A_105 = arith.cmpi eq, %select_n3A_55, %eq3A_104 : vector<16x1024xi32>
    %select_n3A_106 = arith.select %eq3A_105, %slice3A, %broadcast_in_dim3A_59 : vector<16x1024xi1>, vector<16x1024xf32>
    %reduce_sum3A_107 = vector.shape_cast %select_n3A_106 : vector<16x1024xf32> to vector<1x16x1024xf32>
    %reduce_sum3A_108 = arith.constant dense<0.000000e+00> : vector<1xf32>
    %reduce_sum3A_109 = vector.multi_reduction <add>, %reduce_sum3A_107, %reduce_sum3A_108 [1, 2] : vector<1x16x1024xf32> to vector<1xf32>
    %reduce_sum3A_110 = vector.shape_cast %reduce_sum3A_109 : vector<1xf32> to vector<1x1x1xf32>
    %reduce_sum3A_111 = vector.extract %reduce_sum3A_110[0, 0, 0] : f32 from vector<1x1x1xf32>
    %eq3A_112 = arith.constant 1 : i32
    %eq3A_113 = vector.broadcast %eq3A_112 : i32 to vector<16x1024xi32>
    %eq3A_114 = arith.cmpi eq, %sub3A_58, %eq3A_113 : vector<16x1024xi32>
    %select_n3A_115 = arith.select %eq3A_114, %slice3A, %broadcast_in_dim3A_59 : vector<16x1024xi1>, vector<16x1024xf32>
    %reduce_sum3A_116 = vector.shape_cast %select_n3A_115 : vector<16x1024xf32> to vector<1x16x1024xf32>
    %reduce_sum3A_117 = arith.constant dense<0.000000e+00> : vector<1xf32>
    %reduce_sum3A_118 = vector.multi_reduction <add>, %reduce_sum3A_116, %reduce_sum3A_117 [1, 2] : vector<1x16x1024xf32> to vector<1xf32>
    %reduce_sum3A_119 = vector.shape_cast %reduce_sum3A_118 : vector<1xf32> to vector<1x1x1xf32>
    %reduce_sum3A_120 = vector.extract %reduce_sum3A_119[0, 0, 0] : f32 from vector<1x1x1xf32>
    %mul3A_121 = arith.constant 2.000000e+00 : f32
    %mul3A_122 = arith.mulf %mul3A_121, %reduce_sum3A_102 : f32
    %add3A_123 = arith.constant 1.000000e-07 : f32
    %add3A_124 = arith.addf %mul3A_122, %add3A_123 : f32
    %add3A_125 = arith.addf %reduce_sum3A_111, %reduce_sum3A_120 : f32
    %add3A_126 = arith.constant 2.000000e-07 : f32
    %add3A_127 = arith.addf %add3A_125, %add3A_126 : f32
    %div3A_128 = arith.divf %add3A_124, %add3A_127 : f32
    %add3A_129 = arith.addf %add3A_93, %div3A_128 : f32
    %eq3A_130 = arith.constant 18 : i32
    %eq3A_131 = vector.broadcast %eq3A_130 : i32 to vector<16x1024xi32>
    %eq3A_132 = arith.cmpi eq, %select_n3A, %eq3A_131 : vector<16x1024xi32>
    %select_n3A_133 = arith.select %eq3A_132, %slice3A, %broadcast_in_dim3A_59 : vector<16x1024xi1>, vector<16x1024xf32>
    %reduce_sum3A_134 = vector.shape_cast %select_n3A_133 : vector<16x1024xf32> to vector<1x16x1024xf32>
    %reduce_sum3A_135 = arith.constant dense<0.000000e+00> : vector<1xf32>
    %reduce_sum3A_136 = vector.multi_reduction <add>, %reduce_sum3A_134, %reduce_sum3A_135 [1, 2] : vector<1x16x1024xf32> to vector<1xf32>
    %reduce_sum3A_137 = vector.shape_cast %reduce_sum3A_136 : vector<1xf32> to vector<1x1x1xf32>
    %reduce_sum3A_138 = vector.extract %reduce_sum3A_137[0, 0, 0] : f32 from vector<1x1x1xf32>
    %eq3A_139 = arith.constant 2 : i32
    %eq3A_140 = vector.broadcast %eq3A_139 : i32 to vector<16x1024xi32>
    %eq3A_141 = arith.cmpi eq, %select_n3A_55, %eq3A_140 : vector<16x1024xi32>
    %select_n3A_142 = arith.select %eq3A_141, %slice3A, %broadcast_in_dim3A_59 : vector<16x1024xi1>, vector<16x1024xf32>
    %reduce_sum3A_143 = vector.shape_cast %select_n3A_142 : vector<16x1024xf32> to vector<1x16x1024xf32>
    %reduce_sum3A_144 = arith.constant dense<0.000000e+00> : vector<1xf32>
    %reduce_sum3A_145 = vector.multi_reduction <add>, %reduce_sum3A_143, %reduce_sum3A_144 [1, 2] : vector<1x16x1024xf32> to vector<1xf32>
    %reduce_sum3A_146 = vector.shape_cast %reduce_sum3A_145 : vector<1xf32> to vector<1x1x1xf32>
    %reduce_sum3A_147 = vector.extract %reduce_sum3A_146[0, 0, 0] : f32 from vector<1x1x1xf32>
    %eq3A_148 = arith.constant 2 : i32
    %eq3A_149 = vector.broadcast %eq3A_148 : i32 to vector<16x1024xi32>
    %eq3A_150 = arith.cmpi eq, %sub3A_58, %eq3A_149 : vector<16x1024xi32>
    %select_n3A_151 = arith.select %eq3A_150, %slice3A, %broadcast_in_dim3A_59 : vector<16x1024xi1>, vector<16x1024xf32>
    %reduce_sum3A_152 = vector.shape_cast %select_n3A_151 : vector<16x1024xf32> to vector<1x16x1024xf32>
    %reduce_sum3A_153 = arith.constant dense<0.000000e+00> : vector<1xf32>
    %reduce_sum3A_154 = vector.multi_reduction <add>, %reduce_sum3A_152, %reduce_sum3A_153 [1, 2] : vector<1x16x1024xf32> to vector<1xf32>
    %reduce_sum3A_155 = vector.shape_cast %reduce_sum3A_154 : vector<1xf32> to vector<1x1x1xf32>
    %reduce_sum3A_156 = vector.extract %reduce_sum3A_155[0, 0, 0] : f32 from vector<1x1x1xf32>
    %mul3A_157 = arith.constant 2.000000e+00 : f32
    %mul3A_158 = arith.mulf %mul3A_157, %reduce_sum3A_138 : f32
    %add3A_159 = arith.constant 1.000000e-07 : f32
    %add3A_160 = arith.addf %mul3A_158, %add3A_159 : f32
    %add3A_161 = arith.addf %reduce_sum3A_147, %reduce_sum3A_156 : f32
    %add3A_162 = arith.constant 2.000000e-07 : f32
    %add3A_163 = arith.addf %add3A_161, %add3A_162 : f32
    %div3A_164 = arith.divf %add3A_160, %add3A_163 : f32
    %add3A_165 = arith.addf %add3A_129, %div3A_164 : f32
    %eq3A_166 = arith.constant 27 : i32
    %eq3A_167 = vector.broadcast %eq3A_166 : i32 to vector<16x1024xi32>
    %eq3A_168 = arith.cmpi eq, %select_n3A, %eq3A_167 : vector<16x1024xi32>
    %select_n3A_169 = arith.select %eq3A_168, %slice3A, %broadcast_in_dim3A_59 : vector<16x1024xi1>, vector<16x1024xf32>
    %reduce_sum3A_170 = vector.shape_cast %select_n3A_169 : vector<16x1024xf32> to vector<1x16x1024xf32>
    %reduce_sum3A_171 = arith.constant dense<0.000000e+00> : vector<1xf32>
    %reduce_sum3A_172 = vector.multi_reduction <add>, %reduce_sum3A_170, %reduce_sum3A_171 [1, 2] : vector<1x16x1024xf32> to vector<1xf32>
    %reduce_sum3A_173 = vector.shape_cast %reduce_sum3A_172 : vector<1xf32> to vector<1x1x1xf32>
    %reduce_sum3A_174 = vector.extract %reduce_sum3A_173[0, 0, 0] : f32 from vector<1x1x1xf32>
    %eq3A_175 = arith.constant 3 : i32
    %eq3A_176 = vector.broadcast %eq3A_175 : i32 to vector<16x1024xi32>
    %eq3A_177 = arith.cmpi eq, %select_n3A_55, %eq3A_176 : vector<16x1024xi32>
    %select_n3A_178 = arith.select %eq3A_177, %slice3A, %broadcast_in_dim3A_59 : vector<16x1024xi1>, vector<16x1024xf32>
    %reduce_sum3A_179 = vector.shape_cast %select_n3A_178 : vector<16x1024xf32> to vector<1x16x1024xf32>
    %reduce_sum3A_180 = arith.constant dense<0.000000e+00> : vector<1xf32>
    %reduce_sum3A_181 = vector.multi_reduction <add>, %reduce_sum3A_179, %reduce_sum3A_180 [1, 2] : vector<1x16x1024xf32> to vector<1xf32>
    %reduce_sum3A_182 = vector.shape_cast %reduce_sum3A_181 : vector<1xf32> to vector<1x1x1xf32>
    %reduce_sum3A_183 = vector.extract %reduce_sum3A_182[0, 0, 0] : f32 from vector<1x1x1xf32>
    %eq3A_184 = arith.constant 3 : i32
    %eq3A_185 = vector.broadcast %eq3A_184 : i32 to vector<16x1024xi32>
    %eq3A_186 = arith.cmpi eq, %sub3A_58, %eq3A_185 : vector<16x1024xi32>
    %select_n3A_187 = arith.select %eq3A_186, %slice3A, %broadcast_in_dim3A_59 : vector<16x1024xi1>, vector<16x1024xf32>
    %reduce_sum3A_188 = vector.shape_cast %select_n3A_187 : vector<16x1024xf32> to vector<1x16x1024xf32>
    %reduce_sum3A_189 = arith.constant dense<0.000000e+00> : vector<1xf32>
    %reduce_sum3A_190 = vector.multi_reduction <add>, %reduce_sum3A_188, %reduce_sum3A_189 [1, 2] : vector<1x16x1024xf32> to vector<1xf32>
    %reduce_sum3A_191 = vector.shape_cast %reduce_sum3A_190 : vector<1xf32> to vector<1x1x1xf32>
    %reduce_sum3A_192 = vector.extract %reduce_sum3A_191[0, 0, 0] : f32 from vector<1x1x1xf32>
    %mul3A_193 = arith.constant 2.000000e+00 : f32
    %mul3A_194 = arith.mulf %mul3A_193, %reduce_sum3A_174 : f32
    %add3A_195 = arith.constant 1.000000e-07 : f32
    %add3A_196 = arith.addf %mul3A_194, %add3A_195 : f32
    %add3A_197 = arith.addf %reduce_sum3A_183, %reduce_sum3A_192 : f32
    %add3A_198 = arith.constant 2.000000e-07 : f32
    %add3A_199 = arith.addf %add3A_197, %add3A_198 : f32
    %div3A_200 = arith.divf %add3A_196, %add3A_199 : f32
    %add3A_201 = arith.addf %add3A_165, %div3A_200 : f32
    %eq3A_202 = arith.constant 36 : i32
    %eq3A_203 = vector.broadcast %eq3A_202 : i32 to vector<16x1024xi32>
    %eq3A_204 = arith.cmpi eq, %select_n3A, %eq3A_203 : vector<16x1024xi32>
    %select_n3A_205 = arith.select %eq3A_204, %slice3A, %broadcast_in_dim3A_59 : vector<16x1024xi1>, vector<16x1024xf32>
    %reduce_sum3A_206 = vector.shape_cast %select_n3A_205 : vector<16x1024xf32> to vector<1x16x1024xf32>
    %reduce_sum3A_207 = arith.constant dense<0.000000e+00> : vector<1xf32>
    %reduce_sum3A_208 = vector.multi_reduction <add>, %reduce_sum3A_206, %reduce_sum3A_207 [1, 2] : vector<1x16x1024xf32> to vector<1xf32>
    %reduce_sum3A_209 = vector.shape_cast %reduce_sum3A_208 : vector<1xf32> to vector<1x1x1xf32>
    %reduce_sum3A_210 = vector.extract %reduce_sum3A_209[0, 0, 0] : f32 from vector<1x1x1xf32>
    %eq3A_211 = arith.constant 4 : i32
    %eq3A_212 = vector.broadcast %eq3A_211 : i32 to vector<16x1024xi32>
    %eq3A_213 = arith.cmpi eq, %select_n3A_55, %eq3A_212 : vector<16x1024xi32>
    %select_n3A_214 = arith.select %eq3A_213, %slice3A, %broadcast_in_dim3A_59 : vector<16x1024xi1>, vector<16x1024xf32>
    %reduce_sum3A_215 = vector.shape_cast %select_n3A_214 : vector<16x1024xf32> to vector<1x16x1024xf32>
    %reduce_sum3A_216 = arith.constant dense<0.000000e+00> : vector<1xf32>
    %reduce_sum3A_217 = vector.multi_reduction <add>, %reduce_sum3A_215, %reduce_sum3A_216 [1, 2] : vector<1x16x1024xf32> to vector<1xf32>
    %reduce_sum3A_218 = vector.shape_cast %reduce_sum3A_217 : vector<1xf32> to vector<1x1x1xf32>
    %reduce_sum3A_219 = vector.extract %reduce_sum3A_218[0, 0, 0] : f32 from vector<1x1x1xf32>
    %eq3A_220 = arith.constant 4 : i32
    %eq3A_221 = vector.broadcast %eq3A_220 : i32 to vector<16x1024xi32>
    %eq3A_222 = arith.cmpi eq, %sub3A_58, %eq3A_221 : vector<16x1024xi32>
    %select_n3A_223 = arith.select %eq3A_222, %slice3A, %broadcast_in_dim3A_59 : vector<16x1024xi1>, vector<16x1024xf32>
    %reduce_sum3A_224 = vector.shape_cast %select_n3A_223 : vector<16x1024xf32> to vector<1x16x1024xf32>
    %reduce_sum3A_225 = arith.constant dense<0.000000e+00> : vector<1xf32>
    %reduce_sum3A_226 = vector.multi_reduction <add>, %reduce_sum3A_224, %reduce_sum3A_225 [1, 2] : vector<1x16x1024xf32> to vector<1xf32>
    %reduce_sum3A_227 = vector.shape_cast %reduce_sum3A_226 : vector<1xf32> to vector<1x1x1xf32>
    %reduce_sum3A_228 = vector.extract %reduce_sum3A_227[0, 0, 0] : f32 from vector<1x1x1xf32>
    %mul3A_229 = arith.constant 2.000000e+00 : f32
    %mul3A_230 = arith.mulf %mul3A_229, %reduce_sum3A_210 : f32
    %add3A_231 = arith.constant 1.000000e-07 : f32
    %add3A_232 = arith.addf %mul3A_230, %add3A_231 : f32
    %add3A_233 = arith.addf %reduce_sum3A_219, %reduce_sum3A_228 : f32
    %add3A_234 = arith.constant 2.000000e-07 : f32
    %add3A_235 = arith.addf %add3A_233, %add3A_234 : f32
    %div3A_236 = arith.divf %add3A_232, %add3A_235 : f32
    %add3A_237 = arith.addf %add3A_201, %div3A_236 : f32
    %eq3A_238 = arith.constant 45 : i32
    %eq3A_239 = vector.broadcast %eq3A_238 : i32 to vector<16x1024xi32>
    %eq3A_240 = arith.cmpi eq, %select_n3A, %eq3A_239 : vector<16x1024xi32>
    %select_n3A_241 = arith.select %eq3A_240, %slice3A, %broadcast_in_dim3A_59 : vector<16x1024xi1>, vector<16x1024xf32>
    %reduce_sum3A_242 = vector.shape_cast %select_n3A_241 : vector<16x1024xf32> to vector<1x16x1024xf32>
    %reduce_sum3A_243 = arith.constant dense<0.000000e+00> : vector<1xf32>
    %reduce_sum3A_244 = vector.multi_reduction <add>, %reduce_sum3A_242, %reduce_sum3A_243 [1, 2] : vector<1x16x1024xf32> to vector<1xf32>
    %reduce_sum3A_245 = vector.shape_cast %reduce_sum3A_244 : vector<1xf32> to vector<1x1x1xf32>
    %reduce_sum3A_246 = vector.extract %reduce_sum3A_245[0, 0, 0] : f32 from vector<1x1x1xf32>
    %eq3A_247 = arith.constant 5 : i32
    %eq3A_248 = vector.broadcast %eq3A_247 : i32 to vector<16x1024xi32>
    %eq3A_249 = arith.cmpi eq, %select_n3A_55, %eq3A_248 : vector<16x1024xi32>
    %select_n3A_250 = arith.select %eq3A_249, %slice3A, %broadcast_in_dim3A_59 : vector<16x1024xi1>, vector<16x1024xf32>
    %reduce_sum3A_251 = vector.shape_cast %select_n3A_250 : vector<16x1024xf32> to vector<1x16x1024xf32>
    %reduce_sum3A_252 = arith.constant dense<0.000000e+00> : vector<1xf32>
    %reduce_sum3A_253 = vector.multi_reduction <add>, %reduce_sum3A_251, %reduce_sum3A_252 [1, 2] : vector<1x16x1024xf32> to vector<1xf32>
    %reduce_sum3A_254 = vector.shape_cast %reduce_sum3A_253 : vector<1xf32> to vector<1x1x1xf32>
    %reduce_sum3A_255 = vector.extract %reduce_sum3A_254[0, 0, 0] : f32 from vector<1x1x1xf32>
    %eq3A_256 = arith.constant 5 : i32
    %eq3A_257 = vector.broadcast %eq3A_256 : i32 to vector<16x1024xi32>
    %eq3A_258 = arith.cmpi eq, %sub3A_58, %eq3A_257 : vector<16x1024xi32>
    %select_n3A_259 = arith.select %eq3A_258, %slice3A, %broadcast_in_dim3A_59 : vector<16x1024xi1>, vector<16x1024xf32>
    %reduce_sum3A_260 = vector.shape_cast %select_n3A_259 : vector<16x1024xf32> to vector<1x16x1024xf32>
    %reduce_sum3A_261 = arith.constant dense<0.000000e+00> : vector<1xf32>
    %reduce_sum3A_262 = vector.multi_reduction <add>, %reduce_sum3A_260, %reduce_sum3A_261 [1, 2] : vector<1x16x1024xf32> to vector<1xf32>
    %reduce_sum3A_263 = vector.shape_cast %reduce_sum3A_262 : vector<1xf32> to vector<1x1x1xf32>
    %reduce_sum3A_264 = vector.extract %reduce_sum3A_263[0, 0, 0] : f32 from vector<1x1x1xf32>
    %mul3A_265 = arith.constant 2.000000e+00 : f32
    %mul3A_266 = arith.mulf %mul3A_265, %reduce_sum3A_246 : f32
    %add3A_267 = arith.constant 1.000000e-07 : f32
    %add3A_268 = arith.addf %mul3A_266, %add3A_267 : f32
    %add3A_269 = arith.addf %reduce_sum3A_255, %reduce_sum3A_264 : f32
    %add3A_270 = arith.constant 2.000000e-07 : f32
    %add3A_271 = arith.addf %add3A_269, %add3A_270 : f32
    %div3A_272 = arith.divf %add3A_268, %add3A_271 : f32
    %add3A_273 = arith.addf %add3A_237, %div3A_272 : f32
    %eq3A_274 = arith.constant 54 : i32
    %eq3A_275 = vector.broadcast %eq3A_274 : i32 to vector<16x1024xi32>
    %eq3A_276 = arith.cmpi eq, %select_n3A, %eq3A_275 : vector<16x1024xi32>
    %select_n3A_277 = arith.select %eq3A_276, %slice3A, %broadcast_in_dim3A_59 : vector<16x1024xi1>, vector<16x1024xf32>
    %reduce_sum3A_278 = vector.shape_cast %select_n3A_277 : vector<16x1024xf32> to vector<1x16x1024xf32>
    %reduce_sum3A_279 = arith.constant dense<0.000000e+00> : vector<1xf32>
    %reduce_sum3A_280 = vector.multi_reduction <add>, %reduce_sum3A_278, %reduce_sum3A_279 [1, 2] : vector<1x16x1024xf32> to vector<1xf32>
    %reduce_sum3A_281 = vector.shape_cast %reduce_sum3A_280 : vector<1xf32> to vector<1x1x1xf32>
    %reduce_sum3A_282 = vector.extract %reduce_sum3A_281[0, 0, 0] : f32 from vector<1x1x1xf32>
    %eq3A_283 = arith.constant 6 : i32
    %eq3A_284 = vector.broadcast %eq3A_283 : i32 to vector<16x1024xi32>
    %eq3A_285 = arith.cmpi eq, %select_n3A_55, %eq3A_284 : vector<16x1024xi32>
    %select_n3A_286 = arith.select %eq3A_285, %slice3A, %broadcast_in_dim3A_59 : vector<16x1024xi1>, vector<16x1024xf32>
    %reduce_sum3A_287 = vector.shape_cast %select_n3A_286 : vector<16x1024xf32> to vector<1x16x1024xf32>
    %reduce_sum3A_288 = arith.constant dense<0.000000e+00> : vector<1xf32>
    %reduce_sum3A_289 = vector.multi_reduction <add>, %reduce_sum3A_287, %reduce_sum3A_288 [1, 2] : vector<1x16x1024xf32> to vector<1xf32>
    %reduce_sum3A_290 = vector.shape_cast %reduce_sum3A_289 : vector<1xf32> to vector<1x1x1xf32>
    %reduce_sum3A_291 = vector.extract %reduce_sum3A_290[0, 0, 0] : f32 from vector<1x1x1xf32>
    %eq3A_292 = arith.constant 6 : i32
    %eq3A_293 = vector.broadcast %eq3A_292 : i32 to vector<16x1024xi32>
    %eq3A_294 = arith.cmpi eq, %sub3A_58, %eq3A_293 : vector<16x1024xi32>
    %select_n3A_295 = arith.select %eq3A_294, %slice3A, %broadcast_in_dim3A_59 : vector<16x1024xi1>, vector<16x1024xf32>
    %reduce_sum3A_296 = vector.shape_cast %select_n3A_295 : vector<16x1024xf32> to vector<1x16x1024xf32>
    %reduce_sum3A_297 = arith.constant dense<0.000000e+00> : vector<1xf32>
    %reduce_sum3A_298 = vector.multi_reduction <add>, %reduce_sum3A_296, %reduce_sum3A_297 [1, 2] : vector<1x16x1024xf32> to vector<1xf32>
    %reduce_sum3A_299 = vector.shape_cast %reduce_sum3A_298 : vector<1xf32> to vector<1x1x1xf32>
    %reduce_sum3A_300 = vector.extract %reduce_sum3A_299[0, 0, 0] : f32 from vector<1x1x1xf32>
    %mul3A_301 = arith.constant 2.000000e+00 : f32
    %mul3A_302 = arith.mulf %mul3A_301, %reduce_sum3A_282 : f32
    %add3A_303 = arith.constant 1.000000e-07 : f32
    %add3A_304 = arith.addf %mul3A_302, %add3A_303 : f32
    %add3A_305 = arith.addf %reduce_sum3A_291, %reduce_sum3A_300 : f32
    %add3A_306 = arith.constant 2.000000e-07 : f32
    %add3A_307 = arith.addf %add3A_305, %add3A_306 : f32
    %div3A_308 = arith.divf %add3A_304, %add3A_307 : f32
    %add3A_309 = arith.addf %add3A_273, %div3A_308 : f32
    %eq3A_310 = arith.constant 63 : i32
    %eq3A_311 = vector.broadcast %eq3A_310 : i32 to vector<16x1024xi32>
    %eq3A_312 = arith.cmpi eq, %select_n3A, %eq3A_311 : vector<16x1024xi32>
    %select_n3A_313 = arith.select %eq3A_312, %slice3A, %broadcast_in_dim3A_59 : vector<16x1024xi1>, vector<16x1024xf32>
    %reduce_sum3A_314 = vector.shape_cast %select_n3A_313 : vector<16x1024xf32> to vector<1x16x1024xf32>
    %reduce_sum3A_315 = arith.constant dense<0.000000e+00> : vector<1xf32>
    %reduce_sum3A_316 = vector.multi_reduction <add>, %reduce_sum3A_314, %reduce_sum3A_315 [1, 2] : vector<1x16x1024xf32> to vector<1xf32>
    %reduce_sum3A_317 = vector.shape_cast %reduce_sum3A_316 : vector<1xf32> to vector<1x1x1xf32>
    %reduce_sum3A_318 = vector.extract %reduce_sum3A_317[0, 0, 0] : f32 from vector<1x1x1xf32>
    %eq3A_319 = arith.constant 7 : i32
    %eq3A_320 = vector.broadcast %eq3A_319 : i32 to vector<16x1024xi32>
    %eq3A_321 = arith.cmpi eq, %select_n3A_55, %eq3A_320 : vector<16x1024xi32>
    %select_n3A_322 = arith.select %eq3A_321, %slice3A, %broadcast_in_dim3A_59 : vector<16x1024xi1>, vector<16x1024xf32>
    %reduce_sum3A_323 = vector.shape_cast %select_n3A_322 : vector<16x1024xf32> to vector<1x16x1024xf32>
    %reduce_sum3A_324 = arith.constant dense<0.000000e+00> : vector<1xf32>
    %reduce_sum3A_325 = vector.multi_reduction <add>, %reduce_sum3A_323, %reduce_sum3A_324 [1, 2] : vector<1x16x1024xf32> to vector<1xf32>
    %reduce_sum3A_326 = vector.shape_cast %reduce_sum3A_325 : vector<1xf32> to vector<1x1x1xf32>
    %reduce_sum3A_327 = vector.extract %reduce_sum3A_326[0, 0, 0] : f32 from vector<1x1x1xf32>
    %eq3A_328 = arith.constant 7 : i32
    %eq3A_329 = vector.broadcast %eq3A_328 : i32 to vector<16x1024xi32>
    %eq3A_330 = arith.cmpi eq, %sub3A_58, %eq3A_329 : vector<16x1024xi32>
    %select_n3A_331 = arith.select %eq3A_330, %slice3A, %broadcast_in_dim3A_59 : vector<16x1024xi1>, vector<16x1024xf32>
    %reduce_sum3A_332 = vector.shape_cast %select_n3A_331 : vector<16x1024xf32> to vector<1x16x1024xf32>
    %reduce_sum3A_333 = arith.constant dense<0.000000e+00> : vector<1xf32>
    %reduce_sum3A_334 = vector.multi_reduction <add>, %reduce_sum3A_332, %reduce_sum3A_333 [1, 2] : vector<1x16x1024xf32> to vector<1xf32>
    %reduce_sum3A_335 = vector.shape_cast %reduce_sum3A_334 : vector<1xf32> to vector<1x1x1xf32>
    %reduce_sum3A_336 = vector.extract %reduce_sum3A_335[0, 0, 0] : f32 from vector<1x1x1xf32>
    %mul3A_337 = arith.constant 2.000000e+00 : f32
    %mul3A_338 = arith.mulf %mul3A_337, %reduce_sum3A_318 : f32
    %add3A_339 = arith.constant 1.000000e-07 : f32
    %add3A_340 = arith.addf %mul3A_338, %add3A_339 : f32
    %add3A_341 = arith.addf %reduce_sum3A_327, %reduce_sum3A_336 : f32
    %add3A_342 = arith.constant 2.000000e-07 : f32
    %add3A_343 = arith.addf %add3A_341, %add3A_342 : f32
    %div3A_344 = arith.divf %add3A_340, %add3A_343 : f32
    %add3A_345 = arith.addf %add3A_309, %div3A_344 : f32
    %slice3A_346 = vector.extract_strided_slice %get3A_1 {offsets = [16, 0], sizes = [16, 1024], strides = [1, 1]} : vector<32x1024xf32> to vector<16x1024xf32>
    %eq3A_347 = arith.constant 0 : i32
    %eq3A_348 = vector.broadcast %eq3A_347 : i32 to vector<16x1024xi32>
    %eq3A_349 = arith.cmpi eq, %select_n3A, %eq3A_348 : vector<16x1024xi32>
    %select_n3A_350 = arith.select %eq3A_349, %slice3A_346, %broadcast_in_dim3A_59 : vector<16x1024xi1>, vector<16x1024xf32>
    %reduce_sum3A_351 = vector.shape_cast %select_n3A_350 : vector<16x1024xf32> to vector<1x16x1024xf32>
    %reduce_sum3A_352 = arith.constant dense<0.000000e+00> : vector<1xf32>
    %reduce_sum3A_353 = vector.multi_reduction <add>, %reduce_sum3A_351, %reduce_sum3A_352 [1, 2] : vector<1x16x1024xf32> to vector<1xf32>
    %reduce_sum3A_354 = vector.shape_cast %reduce_sum3A_353 : vector<1xf32> to vector<1x1x1xf32>
    %reduce_sum3A_355 = vector.extract %reduce_sum3A_354[0, 0, 0] : f32 from vector<1x1x1xf32>
    %eq3A_356 = arith.constant 0 : i32
    %eq3A_357 = vector.broadcast %eq3A_356 : i32 to vector<16x1024xi32>
    %eq3A_358 = arith.cmpi eq, %select_n3A_55, %eq3A_357 : vector<16x1024xi32>
    %select_n3A_359 = arith.select %eq3A_358, %slice3A_346, %broadcast_in_dim3A_59 : vector<16x1024xi1>, vector<16x1024xf32>
    %reduce_sum3A_360 = vector.shape_cast %select_n3A_359 : vector<16x1024xf32> to vector<1x16x1024xf32>
    %reduce_sum3A_361 = arith.constant dense<0.000000e+00> : vector<1xf32>
    %reduce_sum3A_362 = vector.multi_reduction <add>, %reduce_sum3A_360, %reduce_sum3A_361 [1, 2] : vector<1x16x1024xf32> to vector<1xf32>
    %reduce_sum3A_363 = vector.shape_cast %reduce_sum3A_362 : vector<1xf32> to vector<1x1x1xf32>
    %reduce_sum3A_364 = vector.extract %reduce_sum3A_363[0, 0, 0] : f32 from vector<1x1x1xf32>
    %eq3A_365 = arith.constant 0 : i32
    %eq3A_366 = vector.broadcast %eq3A_365 : i32 to vector<16x1024xi32>
    %eq3A_367 = arith.cmpi eq, %sub3A_58, %eq3A_366 : vector<16x1024xi32>
    %select_n3A_368 = arith.select %eq3A_367, %slice3A_346, %broadcast_in_dim3A_59 : vector<16x1024xi1>, vector<16x1024xf32>
    %reduce_sum3A_369 = vector.shape_cast %select_n3A_368 : vector<16x1024xf32> to vector<1x16x1024xf32>
    %reduce_sum3A_370 = arith.constant dense<0.000000e+00> : vector<1xf32>
    %reduce_sum3A_371 = vector.multi_reduction <add>, %reduce_sum3A_369, %reduce_sum3A_370 [1, 2] : vector<1x16x1024xf32> to vector<1xf32>
    %reduce_sum3A_372 = vector.shape_cast %reduce_sum3A_371 : vector<1xf32> to vector<1x1x1xf32>
    %reduce_sum3A_373 = vector.extract %reduce_sum3A_372[0, 0, 0] : f32 from vector<1x1x1xf32>
    %mul3A_374 = arith.constant 2.000000e+00 : f32
    %mul3A_375 = arith.mulf %mul3A_374, %reduce_sum3A_355 : f32
    %add3A_376 = arith.constant 1.000000e-07 : f32
    %add3A_377 = arith.addf %mul3A_375, %add3A_376 : f32
    %add3A_378 = arith.addf %reduce_sum3A_364, %reduce_sum3A_373 : f32
    %add3A_379 = arith.constant 2.000000e-07 : f32
    %add3A_380 = arith.addf %add3A_378, %add3A_379 : f32
    %div3A_381 = arith.divf %add3A_377, %add3A_380 : f32
    %add3A_382 = arith.addf %add3A_345, %div3A_381 : f32
    %eq3A_383 = arith.constant 9 : i32
    %eq3A_384 = vector.broadcast %eq3A_383 : i32 to vector<16x1024xi32>
    %eq3A_385 = arith.cmpi eq, %select_n3A, %eq3A_384 : vector<16x1024xi32>
    %select_n3A_386 = arith.select %eq3A_385, %slice3A_346, %broadcast_in_dim3A_59 : vector<16x1024xi1>, vector<16x1024xf32>
    %reduce_sum3A_387 = vector.shape_cast %select_n3A_386 : vector<16x1024xf32> to vector<1x16x1024xf32>
    %reduce_sum3A_388 = arith.constant dense<0.000000e+00> : vector<1xf32>
    %reduce_sum3A_389 = vector.multi_reduction <add>, %reduce_sum3A_387, %reduce_sum3A_388 [1, 2] : vector<1x16x1024xf32> to vector<1xf32>
    %reduce_sum3A_390 = vector.shape_cast %reduce_sum3A_389 : vector<1xf32> to vector<1x1x1xf32>
    %reduce_sum3A_391 = vector.extract %reduce_sum3A_390[0, 0, 0] : f32 from vector<1x1x1xf32>
    %eq3A_392 = arith.constant 1 : i32
    %eq3A_393 = vector.broadcast %eq3A_392 : i32 to vector<16x1024xi32>
    %eq3A_394 = arith.cmpi eq, %select_n3A_55, %eq3A_393 : vector<16x1024xi32>
    %select_n3A_395 = arith.select %eq3A_394, %slice3A_346, %broadcast_in_dim3A_59 : vector<16x1024xi1>, vector<16x1024xf32>
    %reduce_sum3A_396 = vector.shape_cast %select_n3A_395 : vector<16x1024xf32> to vector<1x16x1024xf32>
    %reduce_sum3A_397 = arith.constant dense<0.000000e+00> : vector<1xf32>
    %reduce_sum3A_398 = vector.multi_reduction <add>, %reduce_sum3A_396, %reduce_sum3A_397 [1, 2] : vector<1x16x1024xf32> to vector<1xf32>
    %reduce_sum3A_399 = vector.shape_cast %reduce_sum3A_398 : vector<1xf32> to vector<1x1x1xf32>
    %reduce_sum3A_400 = vector.extract %reduce_sum3A_399[0, 0, 0] : f32 from vector<1x1x1xf32>
    %eq3A_401 = arith.constant 1 : i32
    %eq3A_402 = vector.broadcast %eq3A_401 : i32 to vector<16x1024xi32>
    %eq3A_403 = arith.cmpi eq, %sub3A_58, %eq3A_402 : vector<16x1024xi32>
    %select_n3A_404 = arith.select %eq3A_403, %slice3A_346, %broadcast_in_dim3A_59 : vector<16x1024xi1>, vector<16x1024xf32>
    %reduce_sum3A_405 = vector.shape_cast %select_n3A_404 : vector<16x1024xf32> to vector<1x16x1024xf32>
    %reduce_sum3A_406 = arith.constant dense<0.000000e+00> : vector<1xf32>
    %reduce_sum3A_407 = vector.multi_reduction <add>, %reduce_sum3A_405, %reduce_sum3A_406 [1, 2] : vector<1x16x1024xf32> to vector<1xf32>
    %reduce_sum3A_408 = vector.shape_cast %reduce_sum3A_407 : vector<1xf32> to vector<1x1x1xf32>
    %reduce_sum3A_409 = vector.extract %reduce_sum3A_408[0, 0, 0] : f32 from vector<1x1x1xf32>
    %mul3A_410 = arith.constant 2.000000e+00 : f32
    %mul3A_411 = arith.mulf %mul3A_410, %reduce_sum3A_391 : f32
    %add3A_412 = arith.constant 1.000000e-07 : f32
    %add3A_413 = arith.addf %mul3A_411, %add3A_412 : f32
    %add3A_414 = arith.addf %reduce_sum3A_400, %reduce_sum3A_409 : f32
    %add3A_415 = arith.constant 2.000000e-07 : f32
    %add3A_416 = arith.addf %add3A_414, %add3A_415 : f32
    %div3A_417 = arith.divf %add3A_413, %add3A_416 : f32
    %add3A_418 = arith.addf %add3A_382, %div3A_417 : f32
    %eq3A_419 = arith.constant 18 : i32
    %eq3A_420 = vector.broadcast %eq3A_419 : i32 to vector<16x1024xi32>
    %eq3A_421 = arith.cmpi eq, %select_n3A, %eq3A_420 : vector<16x1024xi32>
    %select_n3A_422 = arith.select %eq3A_421, %slice3A_346, %broadcast_in_dim3A_59 : vector<16x1024xi1>, vector<16x1024xf32>
    %reduce_sum3A_423 = vector.shape_cast %select_n3A_422 : vector<16x1024xf32> to vector<1x16x1024xf32>
    %reduce_sum3A_424 = arith.constant dense<0.000000e+00> : vector<1xf32>
    %reduce_sum3A_425 = vector.multi_reduction <add>, %reduce_sum3A_423, %reduce_sum3A_424 [1, 2] : vector<1x16x1024xf32> to vector<1xf32>
    %reduce_sum3A_426 = vector.shape_cast %reduce_sum3A_425 : vector<1xf32> to vector<1x1x1xf32>
    %reduce_sum3A_427 = vector.extract %reduce_sum3A_426[0, 0, 0] : f32 from vector<1x1x1xf32>
    %eq3A_428 = arith.constant 2 : i32
    %eq3A_429 = vector.broadcast %eq3A_428 : i32 to vector<16x1024xi32>
    %eq3A_430 = arith.cmpi eq, %select_n3A_55, %eq3A_429 : vector<16x1024xi32>
    %select_n3A_431 = arith.select %eq3A_430, %slice3A_346, %broadcast_in_dim3A_59 : vector<16x1024xi1>, vector<16x1024xf32>
    %reduce_sum3A_432 = vector.shape_cast %select_n3A_431 : vector<16x1024xf32> to vector<1x16x1024xf32>
    %reduce_sum3A_433 = arith.constant dense<0.000000e+00> : vector<1xf32>
    %reduce_sum3A_434 = vector.multi_reduction <add>, %reduce_sum3A_432, %reduce_sum3A_433 [1, 2] : vector<1x16x1024xf32> to vector<1xf32>
    %reduce_sum3A_435 = vector.shape_cast %reduce_sum3A_434 : vector<1xf32> to vector<1x1x1xf32>
    %reduce_sum3A_436 = vector.extract %reduce_sum3A_435[0, 0, 0] : f32 from vector<1x1x1xf32>
    %eq3A_437 = arith.constant 2 : i32
    %eq3A_438 = vector.broadcast %eq3A_437 : i32 to vector<16x1024xi32>
    %eq3A_439 = arith.cmpi eq, %sub3A_58, %eq3A_438 : vector<16x1024xi32>
    %select_n3A_440 = arith.select %eq3A_439, %slice3A_346, %broadcast_in_dim3A_59 : vector<16x1024xi1>, vector<16x1024xf32>
    %reduce_sum3A_441 = vector.shape_cast %select_n3A_440 : vector<16x1024xf32> to vector<1x16x1024xf32>
    %reduce_sum3A_442 = arith.constant dense<0.000000e+00> : vector<1xf32>
    %reduce_sum3A_443 = vector.multi_reduction <add>, %reduce_sum3A_441, %reduce_sum3A_442 [1, 2] : vector<1x16x1024xf32> to vector<1xf32>
    %reduce_sum3A_444 = vector.shape_cast %reduce_sum3A_443 : vector<1xf32> to vector<1x1x1xf32>
    %reduce_sum3A_445 = vector.extract %reduce_sum3A_444[0, 0, 0] : f32 from vector<1x1x1xf32>
    %mul3A_446 = arith.constant 2.000000e+00 : f32
    %mul3A_447 = arith.mulf %mul3A_446, %reduce_sum3A_427 : f32
    %add3A_448 = arith.constant 1.000000e-07 : f32
    %add3A_449 = arith.addf %mul3A_447, %add3A_448 : f32
    %add3A_450 = arith.addf %reduce_sum3A_436, %reduce_sum3A_445 : f32
    %add3A_451 = arith.constant 2.000000e-07 : f32
    %add3A_452 = arith.addf %add3A_450, %add3A_451 : f32
    %div3A_453 = arith.divf %add3A_449, %add3A_452 : f32
    %add3A_454 = arith.addf %add3A_418, %div3A_453 : f32
    %eq3A_455 = arith.constant 27 : i32
    %eq3A_456 = vector.broadcast %eq3A_455 : i32 to vector<16x1024xi32>
    %eq3A_457 = arith.cmpi eq, %select_n3A, %eq3A_456 : vector<16x1024xi32>
    %select_n3A_458 = arith.select %eq3A_457, %slice3A_346, %broadcast_in_dim3A_59 : vector<16x1024xi1>, vector<16x1024xf32>
    %reduce_sum3A_459 = vector.shape_cast %select_n3A_458 : vector<16x1024xf32> to vector<1x16x1024xf32>
    %reduce_sum3A_460 = arith.constant dense<0.000000e+00> : vector<1xf32>
    %reduce_sum3A_461 = vector.multi_reduction <add>, %reduce_sum3A_459, %reduce_sum3A_460 [1, 2] : vector<1x16x1024xf32> to vector<1xf32>
    %reduce_sum3A_462 = vector.shape_cast %reduce_sum3A_461 : vector<1xf32> to vector<1x1x1xf32>
    %reduce_sum3A_463 = vector.extract %reduce_sum3A_462[0, 0, 0] : f32 from vector<1x1x1xf32>
    %eq3A_464 = arith.constant 3 : i32
    %eq3A_465 = vector.broadcast %eq3A_464 : i32 to vector<16x1024xi32>
    %eq3A_466 = arith.cmpi eq, %select_n3A_55, %eq3A_465 : vector<16x1024xi32>
    %select_n3A_467 = arith.select %eq3A_466, %slice3A_346, %broadcast_in_dim3A_59 : vector<16x1024xi1>, vector<16x1024xf32>
    %reduce_sum3A_468 = vector.shape_cast %select_n3A_467 : vector<16x1024xf32> to vector<1x16x1024xf32>
    %reduce_sum3A_469 = arith.constant dense<0.000000e+00> : vector<1xf32>
    %reduce_sum3A_470 = vector.multi_reduction <add>, %reduce_sum3A_468, %reduce_sum3A_469 [1, 2] : vector<1x16x1024xf32> to vector<1xf32>
    %reduce_sum3A_471 = vector.shape_cast %reduce_sum3A_470 : vector<1xf32> to vector<1x1x1xf32>
    %reduce_sum3A_472 = vector.extract %reduce_sum3A_471[0, 0, 0] : f32 from vector<1x1x1xf32>
    %eq3A_473 = arith.constant 3 : i32
    %eq3A_474 = vector.broadcast %eq3A_473 : i32 to vector<16x1024xi32>
    %eq3A_475 = arith.cmpi eq, %sub3A_58, %eq3A_474 : vector<16x1024xi32>
    %select_n3A_476 = arith.select %eq3A_475, %slice3A_346, %broadcast_in_dim3A_59 : vector<16x1024xi1>, vector<16x1024xf32>
    %reduce_sum3A_477 = vector.shape_cast %select_n3A_476 : vector<16x1024xf32> to vector<1x16x1024xf32>
    %reduce_sum3A_478 = arith.constant dense<0.000000e+00> : vector<1xf32>
    %reduce_sum3A_479 = vector.multi_reduction <add>, %reduce_sum3A_477, %reduce_sum3A_478 [1, 2] : vector<1x16x1024xf32> to vector<1xf32>
    %reduce_sum3A_480 = vector.shape_cast %reduce_sum3A_479 : vector<1xf32> to vector<1x1x1xf32>
    %reduce_sum3A_481 = vector.extract %reduce_sum3A_480[0, 0, 0] : f32 from vector<1x1x1xf32>
    %mul3A_482 = arith.constant 2.000000e+00 : f32
    %mul3A_483 = arith.mulf %mul3A_482, %reduce_sum3A_463 : f32
    %add3A_484 = arith.constant 1.000000e-07 : f32
    %add3A_485 = arith.addf %mul3A_483, %add3A_484 : f32
    %add3A_486 = arith.addf %reduce_sum3A_472, %reduce_sum3A_481 : f32
    %add3A_487 = arith.constant 2.000000e-07 : f32
    %add3A_488 = arith.addf %add3A_486, %add3A_487 : f32
    %div3A_489 = arith.divf %add3A_485, %add3A_488 : f32
    %add3A_490 = arith.addf %add3A_454, %div3A_489 : f32
    %eq3A_491 = arith.constant 36 : i32
    %eq3A_492 = vector.broadcast %eq3A_491 : i32 to vector<16x1024xi32>
    %eq3A_493 = arith.cmpi eq, %select_n3A, %eq3A_492 : vector<16x1024xi32>
    %select_n3A_494 = arith.select %eq3A_493, %slice3A_346, %broadcast_in_dim3A_59 : vector<16x1024xi1>, vector<16x1024xf32>
    %reduce_sum3A_495 = vector.shape_cast %select_n3A_494 : vector<16x1024xf32> to vector<1x16x1024xf32>
    %reduce_sum3A_496 = arith.constant dense<0.000000e+00> : vector<1xf32>
    %reduce_sum3A_497 = vector.multi_reduction <add>, %reduce_sum3A_495, %reduce_sum3A_496 [1, 2] : vector<1x16x1024xf32> to vector<1xf32>
    %reduce_sum3A_498 = vector.shape_cast %reduce_sum3A_497 : vector<1xf32> to vector<1x1x1xf32>
    %reduce_sum3A_499 = vector.extract %reduce_sum3A_498[0, 0, 0] : f32 from vector<1x1x1xf32>
    %eq3A_500 = arith.constant 4 : i32
    %eq3A_501 = vector.broadcast %eq3A_500 : i32 to vector<16x1024xi32>
    %eq3A_502 = arith.cmpi eq, %select_n3A_55, %eq3A_501 : vector<16x1024xi32>
    %select_n3A_503 = arith.select %eq3A_502, %slice3A_346, %broadcast_in_dim3A_59 : vector<16x1024xi1>, vector<16x1024xf32>
    %reduce_sum3A_504 = vector.shape_cast %select_n3A_503 : vector<16x1024xf32> to vector<1x16x1024xf32>
    %reduce_sum3A_505 = arith.constant dense<0.000000e+00> : vector<1xf32>
    %reduce_sum3A_506 = vector.multi_reduction <add>, %reduce_sum3A_504, %reduce_sum3A_505 [1, 2] : vector<1x16x1024xf32> to vector<1xf32>
    %reduce_sum3A_507 = vector.shape_cast %reduce_sum3A_506 : vector<1xf32> to vector<1x1x1xf32>
    %reduce_sum3A_508 = vector.extract %reduce_sum3A_507[0, 0, 0] : f32 from vector<1x1x1xf32>
    %eq3A_509 = arith.constant 4 : i32
    %eq3A_510 = vector.broadcast %eq3A_509 : i32 to vector<16x1024xi32>
    %eq3A_511 = arith.cmpi eq, %sub3A_58, %eq3A_510 : vector<16x1024xi32>
    %select_n3A_512 = arith.select %eq3A_511, %slice3A_346, %broadcast_in_dim3A_59 : vector<16x1024xi1>, vector<16x1024xf32>
    %reduce_sum3A_513 = vector.shape_cast %select_n3A_512 : vector<16x1024xf32> to vector<1x16x1024xf32>
    %reduce_sum3A_514 = arith.constant dense<0.000000e+00> : vector<1xf32>
    %reduce_sum3A_515 = vector.multi_reduction <add>, %reduce_sum3A_513, %reduce_sum3A_514 [1, 2] : vector<1x16x1024xf32> to vector<1xf32>
    %reduce_sum3A_516 = vector.shape_cast %reduce_sum3A_515 : vector<1xf32> to vector<1x1x1xf32>
    %reduce_sum3A_517 = vector.extract %reduce_sum3A_516[0, 0, 0] : f32 from vector<1x1x1xf32>
    %mul3A_518 = arith.constant 2.000000e+00 : f32
    %mul3A_519 = arith.mulf %mul3A_518, %reduce_sum3A_499 : f32
    %add3A_520 = arith.constant 1.000000e-07 : f32
    %add3A_521 = arith.addf %mul3A_519, %add3A_520 : f32
    %add3A_522 = arith.addf %reduce_sum3A_508, %reduce_sum3A_517 : f32
    %add3A_523 = arith.constant 2.000000e-07 : f32
    %add3A_524 = arith.addf %add3A_522, %add3A_523 : f32
    %div3A_525 = arith.divf %add3A_521, %add3A_524 : f32
    %add3A_526 = arith.addf %add3A_490, %div3A_525 : f32
    %eq3A_527 = arith.constant 45 : i32
    %eq3A_528 = vector.broadcast %eq3A_527 : i32 to vector<16x1024xi32>
    %eq3A_529 = arith.cmpi eq, %select_n3A, %eq3A_528 : vector<16x1024xi32>
    %select_n3A_530 = arith.select %eq3A_529, %slice3A_346, %broadcast_in_dim3A_59 : vector<16x1024xi1>, vector<16x1024xf32>
    %reduce_sum3A_531 = vector.shape_cast %select_n3A_530 : vector<16x1024xf32> to vector<1x16x1024xf32>
    %reduce_sum3A_532 = arith.constant dense<0.000000e+00> : vector<1xf32>
    %reduce_sum3A_533 = vector.multi_reduction <add>, %reduce_sum3A_531, %reduce_sum3A_532 [1, 2] : vector<1x16x1024xf32> to vector<1xf32>
    %reduce_sum3A_534 = vector.shape_cast %reduce_sum3A_533 : vector<1xf32> to vector<1x1x1xf32>
    %reduce_sum3A_535 = vector.extract %reduce_sum3A_534[0, 0, 0] : f32 from vector<1x1x1xf32>
    %eq3A_536 = arith.constant 5 : i32
    %eq3A_537 = vector.broadcast %eq3A_536 : i32 to vector<16x1024xi32>
    %eq3A_538 = arith.cmpi eq, %select_n3A_55, %eq3A_537 : vector<16x1024xi32>
    %select_n3A_539 = arith.select %eq3A_538, %slice3A_346, %broadcast_in_dim3A_59 : vector<16x1024xi1>, vector<16x1024xf32>
    %reduce_sum3A_540 = vector.shape_cast %select_n3A_539 : vector<16x1024xf32> to vector<1x16x1024xf32>
    %reduce_sum3A_541 = arith.constant dense<0.000000e+00> : vector<1xf32>
    %reduce_sum3A_542 = vector.multi_reduction <add>, %reduce_sum3A_540, %reduce_sum3A_541 [1, 2] : vector<1x16x1024xf32> to vector<1xf32>
    %reduce_sum3A_543 = vector.shape_cast %reduce_sum3A_542 : vector<1xf32> to vector<1x1x1xf32>
    %reduce_sum3A_544 = vector.extract %reduce_sum3A_543[0, 0, 0] : f32 from vector<1x1x1xf32>
    %eq3A_545 = arith.constant 5 : i32
    %eq3A_546 = vector.broadcast %eq3A_545 : i32 to vector<16x1024xi32>
    %eq3A_547 = arith.cmpi eq, %sub3A_58, %eq3A_546 : vector<16x1024xi32>
    %select_n3A_548 = arith.select %eq3A_547, %slice3A_346, %broadcast_in_dim3A_59 : vector<16x1024xi1>, vector<16x1024xf32>
    %reduce_sum3A_549 = vector.shape_cast %select_n3A_548 : vector<16x1024xf32> to vector<1x16x1024xf32>
    %reduce_sum3A_550 = arith.constant dense<0.000000e+00> : vector<1xf32>
    %reduce_sum3A_551 = vector.multi_reduction <add>, %reduce_sum3A_549, %reduce_sum3A_550 [1, 2] : vector<1x16x1024xf32> to vector<1xf32>
    %reduce_sum3A_552 = vector.shape_cast %reduce_sum3A_551 : vector<1xf32> to vector<1x1x1xf32>
    %reduce_sum3A_553 = vector.extract %reduce_sum3A_552[0, 0, 0] : f32 from vector<1x1x1xf32>
    %mul3A_554 = arith.constant 2.000000e+00 : f32
    %mul3A_555 = arith.mulf %mul3A_554, %reduce_sum3A_535 : f32
    %add3A_556 = arith.constant 1.000000e-07 : f32
    %add3A_557 = arith.addf %mul3A_555, %add3A_556 : f32
    %add3A_558 = arith.addf %reduce_sum3A_544, %reduce_sum3A_553 : f32
    %add3A_559 = arith.constant 2.000000e-07 : f32
    %add3A_560 = arith.addf %add3A_558, %add3A_559 : f32
    %div3A_561 = arith.divf %add3A_557, %add3A_560 : f32
    %add3A_562 = arith.addf %add3A_526, %div3A_561 : f32
    %eq3A_563 = arith.constant 54 : i32
    %eq3A_564 = vector.broadcast %eq3A_563 : i32 to vector<16x1024xi32>
    %eq3A_565 = arith.cmpi eq, %select_n3A, %eq3A_564 : vector<16x1024xi32>
    %select_n3A_566 = arith.select %eq3A_565, %slice3A_346, %broadcast_in_dim3A_59 : vector<16x1024xi1>, vector<16x1024xf32>
    %reduce_sum3A_567 = vector.shape_cast %select_n3A_566 : vector<16x1024xf32> to vector<1x16x1024xf32>
    %reduce_sum3A_568 = arith.constant dense<0.000000e+00> : vector<1xf32>
    %reduce_sum3A_569 = vector.multi_reduction <add>, %reduce_sum3A_567, %reduce_sum3A_568 [1, 2] : vector<1x16x1024xf32> to vector<1xf32>
    %reduce_sum3A_570 = vector.shape_cast %reduce_sum3A_569 : vector<1xf32> to vector<1x1x1xf32>
    %reduce_sum3A_571 = vector.extract %reduce_sum3A_570[0, 0, 0] : f32 from vector<1x1x1xf32>
    %eq3A_572 = arith.constant 6 : i32
    %eq3A_573 = vector.broadcast %eq3A_572 : i32 to vector<16x1024xi32>
    %eq3A_574 = arith.cmpi eq, %select_n3A_55, %eq3A_573 : vector<16x1024xi32>
    %select_n3A_575 = arith.select %eq3A_574, %slice3A_346, %broadcast_in_dim3A_59 : vector<16x1024xi1>, vector<16x1024xf32>
    %reduce_sum3A_576 = vector.shape_cast %select_n3A_575 : vector<16x1024xf32> to vector<1x16x1024xf32>
    %reduce_sum3A_577 = arith.constant dense<0.000000e+00> : vector<1xf32>
    %reduce_sum3A_578 = vector.multi_reduction <add>, %reduce_sum3A_576, %reduce_sum3A_577 [1, 2] : vector<1x16x1024xf32> to vector<1xf32>
    %reduce_sum3A_579 = vector.shape_cast %reduce_sum3A_578 : vector<1xf32> to vector<1x1x1xf32>
    %reduce_sum3A_580 = vector.extract %reduce_sum3A_579[0, 0, 0] : f32 from vector<1x1x1xf32>
    %eq3A_581 = arith.constant 6 : i32
    %eq3A_582 = vector.broadcast %eq3A_581 : i32 to vector<16x1024xi32>
    %eq3A_583 = arith.cmpi eq, %sub3A_58, %eq3A_582 : vector<16x1024xi32>
    %select_n3A_584 = arith.select %eq3A_583, %slice3A_346, %broadcast_in_dim3A_59 : vector<16x1024xi1>, vector<16x1024xf32>
    %reduce_sum3A_585 = vector.shape_cast %select_n3A_584 : vector<16x1024xf32> to vector<1x16x1024xf32>
    %reduce_sum3A_586 = arith.constant dense<0.000000e+00> : vector<1xf32>
    %reduce_sum3A_587 = vector.multi_reduction <add>, %reduce_sum3A_585, %reduce_sum3A_586 [1, 2] : vector<1x16x1024xf32> to vector<1xf32>
    %reduce_sum3A_588 = vector.shape_cast %reduce_sum3A_587 : vector<1xf32> to vector<1x1x1xf32>
    %reduce_sum3A_589 = vector.extract %reduce_sum3A_588[0, 0, 0] : f32 from vector<1x1x1xf32>
    %mul3A_590 = arith.constant 2.000000e+00 : f32
    %mul3A_591 = arith.mulf %mul3A_590, %reduce_sum3A_571 : f32
    %add3A_592 = arith.constant 1.000000e-07 : f32
    %add3A_593 = arith.addf %mul3A_591, %add3A_592 : f32
    %add3A_594 = arith.addf %reduce_sum3A_580, %reduce_sum3A_589 : f32
    %add3A_595 = arith.constant 2.000000e-07 : f32
    %add3A_596 = arith.addf %add3A_594, %add3A_595 : f32
    %div3A_597 = arith.divf %add3A_593, %add3A_596 : f32
    %add3A_598 = arith.addf %add3A_562, %div3A_597 : f32
    %eq3A_599 = arith.constant 63 : i32
    %eq3A_600 = vector.broadcast %eq3A_599 : i32 to vector<16x1024xi32>
    %eq3A_601 = arith.cmpi eq, %select_n3A, %eq3A_600 : vector<16x1024xi32>
    %select_n3A_602 = arith.select %eq3A_601, %slice3A_346, %broadcast_in_dim3A_59 : vector<16x1024xi1>, vector<16x1024xf32>
    %reduce_sum3A_603 = vector.shape_cast %select_n3A_602 : vector<16x1024xf32> to vector<1x16x1024xf32>
    %reduce_sum3A_604 = arith.constant dense<0.000000e+00> : vector<1xf32>
    %reduce_sum3A_605 = vector.multi_reduction <add>, %reduce_sum3A_603, %reduce_sum3A_604 [1, 2] : vector<1x16x1024xf32> to vector<1xf32>
    %reduce_sum3A_606 = vector.shape_cast %reduce_sum3A_605 : vector<1xf32> to vector<1x1x1xf32>
    %reduce_sum3A_607 = vector.extract %reduce_sum3A_606[0, 0, 0] : f32 from vector<1x1x1xf32>
    %eq3A_608 = arith.constant 7 : i32
    %eq3A_609 = vector.broadcast %eq3A_608 : i32 to vector<16x1024xi32>
    %eq3A_610 = arith.cmpi eq, %select_n3A_55, %eq3A_609 : vector<16x1024xi32>
    %select_n3A_611 = arith.select %eq3A_610, %slice3A_346, %broadcast_in_dim3A_59 : vector<16x1024xi1>, vector<16x1024xf32>
    %reduce_sum3A_612 = vector.shape_cast %select_n3A_611 : vector<16x1024xf32> to vector<1x16x1024xf32>
    %reduce_sum3A_613 = arith.constant dense<0.000000e+00> : vector<1xf32>
    %reduce_sum3A_614 = vector.multi_reduction <add>, %reduce_sum3A_612, %reduce_sum3A_613 [1, 2] : vector<1x16x1024xf32> to vector<1xf32>
    %reduce_sum3A_615 = vector.shape_cast %reduce_sum3A_614 : vector<1xf32> to vector<1x1x1xf32>
    %reduce_sum3A_616 = vector.extract %reduce_sum3A_615[0, 0, 0] : f32 from vector<1x1x1xf32>
    %eq3A_617 = arith.constant 7 : i32
    %eq3A_618 = vector.broadcast %eq3A_617 : i32 to vector<16x1024xi32>
    %eq3A_619 = arith.cmpi eq, %sub3A_58, %eq3A_618 : vector<16x1024xi32>
    %select_n3A_620 = arith.select %eq3A_619, %slice3A_346, %broadcast_in_dim3A_59 : vector<16x1024xi1>, vector<16x1024xf32>
    %reduce_sum3A_621 = vector.shape_cast %select_n3A_620 : vector<16x1024xf32> to vector<1x16x1024xf32>
    %reduce_sum3A_622 = arith.constant dense<0.000000e+00> : vector<1xf32>
    %reduce_sum3A_623 = vector.multi_reduction <add>, %reduce_sum3A_621, %reduce_sum3A_622 [1, 2] : vector<1x16x1024xf32> to vector<1xf32>
    %reduce_sum3A_624 = vector.shape_cast %reduce_sum3A_623 : vector<1xf32> to vector<1x1x1xf32>
    %reduce_sum3A_625 = vector.extract %reduce_sum3A_624[0, 0, 0] : f32 from vector<1x1x1xf32>
    %mul3A_626 = arith.constant 2.000000e+00 : f32
    %mul3A_627 = arith.mulf %mul3A_626, %reduce_sum3A_607 : f32
    %add3A_628 = arith.constant 1.000000e-07 : f32
    %add3A_629 = arith.addf %mul3A_627, %add3A_628 : f32
    %add3A_630 = arith.addf %reduce_sum3A_616, %reduce_sum3A_625 : f32
    %add3A_631 = arith.constant 2.000000e-07 : f32
    %add3A_632 = arith.addf %add3A_630, %add3A_631 : f32
    %div3A_633 = arith.divf %add3A_629, %add3A_632 : f32
    %add3A_634 = arith.addf %add3A_598, %div3A_633 : f32
    %neg3A = arith.constant 0.000000e+00 : f32
    %neg3A_635 = arith.subf %neg3A, %add3A_634 : f32
    %div3A_636 = arith.constant 8.000000e+00 : f32
    %div3A_637 = arith.divf %neg3A_635, %div3A_636 : f32
    %swap3A = arith.constant 0 : index
    %swap3A_638 = arith.constant 0 : index
    %swap3A_639 = memref.load %arg1[%swap3A, %swap3A_638] : memref<1x1xf32, #tpu.memory_space<smem>>
    memref.store %div3A_637, %arg1[%swap3A, %swap3A_638] : memref<1x1xf32, #tpu.memory_space<smem>>
    return
  }
}

</mosaic_0001>

<sc_bundles>
// kernel: kernel.4.cloned.1.call-start
scs
__scs_entry_jumppad:
0x0: {  	(pc) =	sbr.rel $0x88, $3  }
0x1: {  	(tag) =	ssettag $0x0;
	lr =	simm.s32 $0x1  }
0x2: {  	[smem:$0x3F9F] =	sst lr;
	_ =	strace $0xD0000000  }
0x3: {  	_ = 	snop  }
0x4: {  	_ = 	snop  }
0x5: {  	_ = 	snop  }
0x6: {  	_ = 	snop  }
0x7: {  	_ = 	snop  }
__scs_overlays_trampoline_lowered:
0x8: {  	[smem:$0x3FAE] =	sst s0  }
0x9: {  	[smem:$0x3FAF] =	sst s1  }
0xa: {  	[smem:$0x3FB0] =	sst s2  }
0xb: {  	[smem:$0x3FB1] =	sst s3  }
0xc: {  	[smem:$0x3FB2] =	sst s4  }
0xd: {  	[smem:$0x3FB3] =	sst s5  }
0xe: {  	[smem:$0x3FB4] =	sst s6  }
0xf: {  	[smem:$0x3FB5] =	sst s7  }
0x10: {  	[smem:$0x3FB6] =	sst s8  }
0x11: {  	[smem:$0x3FB7] =	sst s9;
	s0 =	simm.s32 @!p0 $0x0  }
0x12: {  	s1 =	sld [smem:$0x3F9D];
	s0 =	simm.s32 @p0 $0x1  }
0x13: {  	[smem:$0x3FB8] =	sst s0;
	s0 =	simm.s32 @!p1 $0x0  }
0x14: {  	s2 =	sld [smem:$0x3F9C];
	s0 =	simm.s32 @p1 $0x1  }
0x15: {  	[smem:$0x3FB9] =	sst s0;
	s0 =	simm.s32 @!p2 $0x0  }
0x16: {  	s3 =	sld [smem:$0x3FDB];
	s0 =	simm.s32 @p2 $0x1  }
0x17: {  	s4 =	simm.s32 $0x1BF5;
	[smem:$0x3FBB] =	sst s0  }
0x18: {  	s0 =	sld [smem:$0x3F9E];
	_ =	swait.ge [sflag:s4], $0x0  }
0x19: {  	s7 =	sld [smem:$0x3F9F]  }
0x1a: {  	s8 =	sadd.s32 $0xFFFFE003, lr  }
0x1b: {  	s9 =	sadd.s32 $0xFFFFFEF7, lr;
	s5 =	simm.s32 $0xFFFFFFFF;
	p2 =	slt.u32 s8, $0xFFFFF086  }
0x1c: {  	p1 =	slt.u32 s9, $0xF7A;
	s5 =	simm.s32 @!p2 $0x0  }
0x1d: {  	s5 =	simm.s32 @p1 $0x1;
	p0 =	seq.s32 s7, s2  }
0x1e: {  	s7 =	smul.u32 @!p0 $0xF7A, s2;
	p2 =	seq.s32 @!p0 s5, $0x0  }
0x1f: {  	s9 =	smul.u32 $0xF7A, s1;
	s8 =	simm.s32 @!p0 $0x1BF5;
	p2 =	por !p2, p0  }
0x20: {  	[sflag:s8] =	ssyncset.s32 @!p0 $0xFFFFF086;
	s6 =	sadd.s32 @!p0 s3, s7;
	s7 =	simm.s32 @!p0 $0x108  }
0x21: {  	s3 =	sadd.s32 s3, s9;
	s6 =	sadd.s32 @!p0 $0x88, s6;
	s7 =	simm.s32 @p2 $0x1082  }
0x22: {  	[simem:s7], [sflag:s8] =	dma.local @!p0 [hbm:s6], $0xF7A  }
0x23: {  	s9 =	sor.u32 $0xD0000000, s2;
	s6 =	simm.s32 $0x108;
	_ =	swait.ge @!p0 [sflag:s8], $0x0  }
0x24: {  	s3 =	sadd.s32 $0x88, s3;
	s6 =	simm.s32 @!p1 $0x1082;
	[sflag:s4] =	ssyncset.s32 $0xFFFFF086  }
0x25: {  	[simem:s6], [sflag:s4] =	dma.local [hbm:s3], $0xF7A  }
0x26: {  	[smem:$0x3F9F] =	sst s1;
	(tag) =	ssettag s2;
	_ =	strace s9  }
0x27: {  	s1 =	sld [smem:$0x3FAF]  }
0x28: {  	s2 =	sld [smem:$0x3FB0]  }
0x29: {  	s4 =	sld [smem:$0x3FB2]  }
0x2a: {  	p0 =	seq.s32 s5, $0x0;
	s5 =	sld [smem:$0x3FB3]  }
0x2b: {  	s6 =	sld [smem:$0x3FB4]  }
0x2c: {  	s7 =	sld [smem:$0x3FB5]  }
0x2d: {  	s3 =	simm.s32 $0x108;
	s8 =	sld [smem:$0x3FB6]  }
0x2e: {  	s3 =	simm.s32 @!p0 $0x1082;
	s9 =	sld [smem:$0x3FB7]  }
0x2f: {  	lr =	sadd.s32 s0, s3;
	s0 =	sld [smem:$0x3FAE]  }
0x30: {  	s3 =	sld [smem:$0x3FB1]  }
0x31: {  	[smem:$0x3FBA] =	sst s10  }
0x32: {  	s10 =	sld [smem:$0x3FB8];
	_ =	sdelay $0x3  }
0x33: {  	p0 =	seq.s32 s10, $0x1;
	s10 =	sld [smem:$0x3FBA];
	_ =	sdelay $0x3  }
0x34: {  	[smem:$0x3FBA] =	sst s10  }
0x35: {  	s10 =	sld [smem:$0x3FB9];
	_ =	sdelay $0x3  }
0x36: {  	p1 =	seq.s32 s10, $0x1;
	s10 =	sld [smem:$0x3FBA];
	_ =	sdelay $0x3  }
0x37: {  	[smem:$0x3FBA] =	sst s10  }
0x38: {  	s10 =	sld [smem:$0x3FBB]  }
0x39: {  	_ = 	snop;
	(pc) =	sbr.ind lr, $3  }
0x3a: {  	_ = 	snop  }
0x3b: {  	_ = 	snop  }
0x3c: {  	p2 =	seq.s32 s10, $0x1;
	s10 =	sld [smem:$0x3FBA]  }
0x3d: {  	_ =	shalt  }
0x3e: {  	_ =	shalt  }
0x3f: {  	_ =	shalt  }
0x40: {  	_ =	shalt  }
0x41: {  	_ =	shalt  }
0x42: {  	_ =	shalt  }
0x43: {  	_ =	shalt  }
0x44: {  	_ =	shalt  }
0x45: {  	_ =	shalt  }
0x46: {  	_ =	shalt  }
0x47: {  	_ =	shalt  }
0x48: {  	_ =	shalt  }
0x49: {  	_ =	shalt  }
0x4a: {  	_ =	shalt  }
0x4b: {  	_ =	shalt  }
0x4c: {  	_ =	shalt  }
0x4d: {  	_ =	shalt  }
0x4e: {  	_ =	shalt  }
0x4f: {  	_ =	shalt  }
0x50: {  	_ =	shalt  }
0x51: {  	_ =	shalt  }
0x52: {  	_ =	shalt  }
0x53: {  	_ =	shalt  }
0x54: {  	_ =	shalt  }
0x55: {  	_ =	shalt  }
0x56: {  	_ =	shalt  }
0x57: {  	_ =	shalt  }
0x58: {  	_ =	shalt  }
0x59: {  	_ =	shalt  }
0x5a: {  	_ =	shalt  }
0x5b: {  	_ =	shalt  }
0x5c: {  	_ =	shalt  }
0x5d: {  	_ =	shalt  }
0x5e: {  	_ =	shalt  }
0x5f: {  	_ =	shalt  }
0x60: {  	_ =	shalt  }
0x61: {  	_ =	shalt  }
0x62: {  	_ =	shalt  }
0x63: {  	_ =	shalt  }
0x64: {  	_ =	shalt  }
0x65: {  	_ =	shalt  }
0x66: {  	_ =	shalt  }
0x67: {  	_ =	shalt  }
0x68: {  	_ =	shalt  }
0x69: {  	_ =	shalt  }
0x6a: {  	_ =	shalt  }
0x6b: {  	_ =	shalt  }
0x6c: {  	_ =	shalt  }
0x6d: {  	_ =	shalt  }
0x6e: {  	_ =	shalt  }
0x6f: {  	_ =	shalt  }
0x70: {  	_ =	shalt  }
0x71: {  	_ =	shalt  }
0x72: {  	_ =	shalt  }
0x73: {  	_ =	shalt  }
0x74: {  	_ =	shalt  }
0x75: {  	_ =	shalt  }
0x76: {  	_ =	shalt  }
0x77: {  	_ =	shalt  }
0x78: {  	_ =	shalt  }
0x79: {  	_ =	shalt  }
0x7a: {  	_ =	shalt  }
0x7b: {  	_ =	shalt  }
0x7c: {  	_ =	shalt  }
0x7d: {  	_ =	shalt  }
0x7e: {  	_ =	shalt  }
0x7f: {  	_ =	shalt  }
0x80: {  	_ =	shalt  }
0x81: {  	_ =	shalt  }
0x82: {  	_ =	shalt  }
0x83: {  	_ =	shalt  }
0x84: {  	_ =	shalt  }
0x85: {  	_ =	shalt  }
0x86: {  	_ =	shalt  }
0x87: {  	_ =	shalt  }
.Lfunc_end0:
.L_simem_size_0:
called_computation_lowered:
.L_overlay_start_0:
0x88: {  	s2 =	sld [smem:$0x3FD9]  }
0x89: {  	s3 =	sld [smem:$0x3FFE];
	_ =	sdelay $0x1  }
0x8a: {  	s1 =	srdreg.scid  }
0x8b: {  	s0 =	sand.u32 $0x1, s1  }
0x8c: {  	s17 =	sshll.u32 s0, $0xA;
	s2 =	sadd.s32 s3, s2  }
0x8d: {  	s2 =	sadd.s32 s2, s17  }
0x8e: {  	[smem:$0x3FC6] =	sst s2  }
0x8f: {  	_ = 	snop  }
0x90: {  	s2 =	sld [smem:$0x3FC9]  }
0x91: {  	s18 =	sld [smem:$0x3FC8];
	(tm) =	ssettm $0x1  }
0x92: {  	s4 =	sld [smem:$0x3FFB];
	_ =	sdelay $0x3  }
0x93: {  	_ =	strace s4  }
0x94: {  	s4 =	sld [smem:$0x3FFC];
	_ =	sdelay $0x3  }
0x95: {  	_ =	strace s4  }
0x96: {  	s4 =	sld [smem:$0x3FFD];
	_ =	sdelay $0x3  }
0x97: {  	_ =	strace s4  }
0x98: {  	_ =	strace $0x8FFFFFFF  }
0x99: {  	s19 =	sld [smem:$0x3FDB];
	_ =	sdelay $0x1  }
0x9a: {  	s5 =	simm.s32 $_scs_section_size  }
0x9b: {  	s6 =	simm.s32 $_size__tile_overlayer_lowered;
	s7 =	simm.s32 $_tile_overlayer_lowered  }
0x9c: {  	s22 =	simm.s32 $0x1BFF;
	s21 =	sshll.u32 s7, $0x1;
	s4 =	sadd.s32 s5, s19  }
0x9d: {  	s8 =	simm.s32 $0x0;
	s20 =	sshll.u32 s6, $0x1;
	s6 =	sadd.s32 s21, s4  }
0x9e: {  	[timem:s8], [sflag:s22] =	dma.local [hbm:s6], s20  }
0x9f: {  	_ =	swait.ge [sflag:s22], s20  }
0xa0: {  	s5 =	ssub.s32 $0x0, s20;
	[sflag:s22] =	ssyncset.done $0x0  }
0xa1: {  	[sflag:s22] =	ssyncadd.s32 s5;
	_ =	sdelay $0x1  }
0xa2: {  	s23 =	simm.s32 $0x1B8B  }
0xa3: {  	_ =	swait.ge [sflag:s23], $0x1  }
0xa4: {  	[sflag:s23] =	ssyncset.done $0x0  }
0xa5: {  	s25 =	simm.s32 $0x1B8E;
	s24 =	sld [smem:$0x3FFE];
	[sflag:s23] =	ssyncadd.s32 $0xFFFFFFFF  }
0xa6: {  	s26 =	simm.s32 $execute0_lowered;
	[smem:$0x3FD2] =	sst s25  }
0xa7: {  	s6 =	sshll.u32 s26, $0x1;
	_ =	strace $0x80000046;
	[dreg:$0x1] =	wrdreg $0xFFFFFFFF  }
0xa8: {  	s28 =	simm.s32 $_size_execute0_lowered;
	s4 =	sadd.s32 s4, s6;
	[dreg:$0x0] =	wrdreg $0x0  }
0xa9: {  	s6 =	sshll.u32 s28, $0x1;
	[dreg:$0x2] =	wrdreg s4  }
0xaa: {  	[dreg:$0x3] =	wrdreg s6  }
0xab: {  	[dreg:$0x4] =	wrdreg $0xC0  }
0xac: {  	_ =	task [dreg:s8], $0x5FFFF  }
0xad: {  	[dreg:$0x1] =	wrdreg $0xFFFFFFFF  }
0xae: {  	[dreg:$0x0] =	wrdreg $0x60  }
0xaf: {  	[dreg:$0x2] =	wrdreg s2  }
0xb0: {  	[dreg:$0x3] =	wrdreg s18  }
0xb1: {  	[dreg:$0x4] =	wrdreg s24  }
0xb2: {  	[dreg:$0x5] =	wrdreg $0x9  }
0xb3: {  	_ =	task.clear_ibuf [dreg:s8], $0x6FFFF;
	_ =	strace $0x90000046  }
0xb4: {  	s29 =	simm.s32 $0x9;
	_ =	strace $0x80000048  }
0xb5: {  	_ =	swait.ge [sflag:s29], $0x1  }
0xb6: {  	[sflag:s29] =	ssyncadd.s32 $0xFFFFFFFF  }
0xb7: {  	_ =	strace $0x90000048  }
0xb8: {  	_ =	sfence  }
0xb9: {  	s30 =	sld [smem:$0x0];
	_ =	sdelay $0x2  }
0xba: {  	s31 =	sshll.u32 s1, $0xD;
	s1 =	sshrl.u32 s1, $0x2  }
0xbb: {  	s3 =	sand.u32 $0x4000, s31;
	s1 =	sadd.s32 s1, s30  }
0xbc: {  	s0 =	sor.u32 s3, s0;
	s1 =	sshll.u32 s1, $0x11  }
0xbd: {  	s0 =	sor.u32 s1, s0  }
0xbe: {  	s0 =	sadd.s32 $0x8F2B, s0  }
0xbf: {  	[sflag:s0] =	ssyncadd.remote.s32 $0x1  }
0xc0: {  	_ =	sfence.sel $0xFFFF  }
0xc1: {  	[dreg:$0x0] =	wrdreg $0xFFFFFFFF;
	(pc) =	sbr.abs _section_cstart, $3  }
0xc2: {  	[dreg:$0x1] =	wrdreg $0xFFFFFFFF  }
0xc3: {  	_ =	task.clear_ibuf [dreg:s8], $0x2FFFF;
	_ =	strace $0x9FFFFFFF  }
0xc4: {  	(tm) =	ssettm $0x7FFFFFFF  }
0xc5: {  	_ =	shalt  }
tec
execute0_lowered:
.L_overlay_start_1:
0x0: {  	(tag) =	ssettag $0x1  }
0x1: {  	s0 =	rddreg [dreg:$0x0]  }
0x2: {  	s1 =	rddreg [dreg:$0x1]  }
0x3: {  	s3 =	rddreg [dreg:$0x2]  }
0x4: {  	s2 =	simm.s32 $0x0;
	s6 =	stileid.u32;
	s4 =	srdreg.scid  }
0x5: {  	s21 =	simm.s32 $0x8000;
	s22 =	simm.s32 $0x4000;
	s23 =	simm.s32 $0xC000  }
0x6: {  	s28 =	simm.s32 $0x2;
	s29 =	simm.s32 $0x4;
	[smem:$0x7FF] =	sst s2  }
0x7: {  	s4 =	sand.u32 $0x1, s4;
	s5 =	sshll.u32 s6, $0x1;
	s6 =	sshll.u32 s6, $0x8  }
0x8: {  	_ =	strace $0x80000047;
	s7 =	ssub.s32 $0x2, s4;
	s15 =	sor.u32 s4, s5  }
0x9: {  	s24 =	sand.u32 $0xC00, s6;
	s25 =	sshrl.u32 s7, $0x1;
	s16 =	sshll.u32 s15, $0xE  }
0xa: {  	s3 =	sadd.s32 s24, s3;
	s18 =	sshll.u32 s15, $0x4;
	s24 =	simm.s32 $0x1  }
0xb: {  	s20 =	ssub.s32 s7, s25;
	s26 =	sor.u32 $0x800, s16;
	s30 =	sadd.s32 s0, s16  }
0xc: {  	s4 =	sadd.s32 s1, s16;
	s8 =	sor.u32 $0x1000, s16;
	s10 =	sor.u32 $0x1800, s16  }
0xd: {  	s12 =	sor.u32 $0x2000, s16;
	s14 =	sor.u32 $0x2800, s16;
	s17 =	sor.u32 $0x3000, s16  }
0xe: {  	s19 =	sor.u32 $0x3800, s16;
	s18 =	sand.u32 $0x70, s18;
	s25 =	simm.s32 $0x3  }
0xf: {  	[dreg:$0x4] =	wrdreg s30;
	s5 =	sadd.s32 s0, s26;
	s6 =	sadd.s32 s1, s26  }
0x10: {  	s7 =	sadd.s32 s0, s8;
	s8 =	sadd.s32 s1, s8;
	s9 =	sadd.s32 s0, s10  }
0x11: {  	s10 =	sadd.s32 s1, s10;
	s11 =	sadd.s32 s0, s12;
	s12 =	sadd.s32 s1, s12  }
0x12: {  	s13 =	sadd.s32 s0, s14;
	s14 =	sadd.s32 s1, s14;
	s15 =	sadd.s32 s0, s17  }
0x13: {  	s16 =	sadd.s32 s1, s17;
	s17 =	sadd.s32 s0, s19;
	s31 =	sadd.s32 s18, s3  }
0x14: {  	v1 =	vlaneseq.u32;
	s18 =	sadd.s32 s1, s19;
	s20 =	smax.u32 s20, $0x1;
	s26 =	simm.s32 $0x10000  }
0x15: {  	v0 =	vimm.f32 $0.0e+00;
	v2 =	vimm.f32 $1.000000000e+00;
	v1 =	vor.u32 $0xB5000000, v1;
	s0 =	simm.s32 $0x5;
	s1 =	simm.s32 $0x0;
	s19 =	sadd.s32 $0x600, s31  }
.LBB2_1:
0x16: {  	[tilespmem:$0x10000] =	vst v0  }
0x17: {  	[tilespmem:$0x10010] =	vst v0  }
0x18: {  	[tilespmem:$0x10020] =	vst v0  }
0x19: {  	[tilespmem:$0x10030] =	vst v0  }
0x1a: {  	[tilespmem:$0x10040] =	vst v0  }
0x1b: {  	[tilespmem:$0x10050] =	vst v0  }
0x1c: {  	[tilespmem:$0x10060] =	vst v0  }
0x1d: {  	[tilespmem:$0x10070] =	vst v0  }
0x1e: {  	[tilespmem:$0x10080] =	vst v0  }
0x1f: {  	[tilespmem:$0x10090] =	vst v0  }
0x20: {  	[tilespmem:$0x100A0] =	vst v0  }
0x21: {  	[tilespmem:$0x100B0] =	vst v0  }
0x22: {  	[tilespmem:$0x100C0] =	vst v0  }
0x23: {  	[tilespmem:$0x100D0] =	vst v0  }
0x24: {  	[tilespmem:$0x100E0] =	vst v0  }
0x25: {  	[tilespmem:$0x100F0] =	vst v0  }
0x26: {  	[tilespmem:$0x10100] =	vst v0  }
0x27: {  	[tilespmem:$0x10110] =	vst v0  }
0x28: {  	[tilespmem:$0x10120] =	vst v0  }
0x29: {  	[tilespmem:$0x10130] =	vst v0  }
0x2a: {  	[tilespmem:$0x10140] =	vst v0  }
0x2b: {  	[tilespmem:$0x10150] =	vst v0  }
0x2c: {  	[tilespmem:$0x10160] =	vst v0  }
0x2d: {  	[tilespmem:$0x10170] =	vst v0  }
0x2e: {  	[tilespmem:$0x10180] =	vst v0  }
0x2f: {  	[tilespmem:$0x10190] =	vst v0  }
0x30: {  	[tilespmem:$0x101A0] =	vst v0  }
0x31: {  	[tilespmem:$0x101B0] =	vst v0  }
0x32: {  	[tilespmem:$0x101C0] =	vst v0  }
0x33: {  	[tilespmem:$0x101D0] =	vst v0  }
0x34: {  	[tilespmem:$0x101E0] =	vst v0  }
0x35: {  	[tilespmem:$0x101F0] =	vst v0  }
0x36: {  	[tilespmem:$0x10200] =	vst v0  }
0x37: {  	[tilespmem:$0x10210] =	vst v0  }
0x38: {  	[tilespmem:$0x10220] =	vst v0  }
0x39: {  	[tilespmem:$0x10230] =	vst v0  }
0x3a: {  	[tilespmem:$0x10240] =	vst v0  }
0x3b: {  	[tilespmem:$0x10250] =	vst v0  }
0x3c: {  	[tilespmem:$0x10260] =	vst v0  }
0x3d: {  	[tilespmem:$0x10270] =	vst v0  }
0x3e: {  	[tilespmem:$0x10280] =	vst v0  }
0x3f: {  	[tilespmem:$0x10290] =	vst v0  }
0x40: {  	[tilespmem:$0x102A0] =	vst v0  }
0x41: {  	[tilespmem:$0x102B0] =	vst v0  }
0x42: {  	[tilespmem:$0x102C0] =	vst v0  }
0x43: {  	[tilespmem:$0x102D0] =	vst v0  }
0x44: {  	[tilespmem:$0x102E0] =	vst v0  }
0x45: {  	[tilespmem:$0x102F0] =	vst v0  }
0x46: {  	[tilespmem:$0x10300] =	vst v0  }
0x47: {  	[tilespmem:$0x10310] =	vst v0  }
0x48: {  	[tilespmem:$0x10320] =	vst v0  }
0x49: {  	[tilespmem:$0x10330] =	vst v0  }
0x4a: {  	[tilespmem:$0x10340] =	vst v0  }
0x4b: {  	[tilespmem:$0x10350] =	vst v0  }
0x4c: {  	[tilespmem:$0x10360] =	vst v0  }
0x4d: {  	[tilespmem:$0x10370] =	vst v0  }
0x4e: {  	[tilespmem:$0x10380] =	vst v0  }
0x4f: {  	[tilespmem:$0x10390] =	vst v0  }
0x50: {  	[tilespmem:$0x103A0] =	vst v0  }
0x51: {  	[tilespmem:$0x103B0] =	vst v0  }
0x52: {  	[tilespmem:$0x103C0] =	vst v0  }
0x53: {  	[tilespmem:$0x103D0] =	vst v0  }
0x54: {  	[tilespmem:$0x103E0] =	vst v0  }
0x55: {  	[tilespmem:$0x103F0] =	vst v0;
	s3 =	rddreg [dreg:$0x4]  }
0x56: {  	[tilespmem:s2], [sflag:$0x1] =	stream.linear.gather [hbm4b:s3+s2], $0x4000, $0x38;
	[tilespmem:$0x10400] =	vst v63  }
0x57: {  	_ = 	snop  }
0x58: {  	[tilespmem:s21], [sflag:$0x3] =	stream.linear.gather [hbm4b:s4+s2], $0x4000, $0x38;
	[tilespmem:$0x10400] =	vst v63  }
0x59: {  	_ = 	snop  }
0x5a: {  	[tilespmem:s22], [sflag:$0x2] =	stream.linear.gather [hbm4b:s5+s2], $0x4000, $0x38;
	[tilespmem:$0x10400] =	vst v63  }
0x5b: {  	_ = 	snop  }
0x5c: {  	[tilespmem:s23], [sflag:$0x4] =	stream.linear.gather [hbm4b:s6+s2], $0x4000, $0x38;
	[tilespmem:$0x10400] =	vst v63  }
0x5d: {  	_ =	swait.ge [sflag:s24], $0x4000  }
0x5e: {  	[sflag:s24] =	ssyncset.done $0x0  }
0x5f: {  	[sflag:s24] =	ssyncadd.s32 $0xFFFFC000  }
0x60: {  	_ =	swait.ge [sflag:s25], $0x4000  }
0x61: {  	[sflag:s25] =	ssyncset.done $0x0  }
0x62: {  	s3 =	simm.s32 $0x20;
	[sflag:s25] =	ssyncadd.s32 $0xFFFFC000  }
0x63: {  	v3 =	vld [tilespmem:s3+$0x10]  }
0x64: {  	s30 =	simm.s32 $0x8020  }
0x65: {  	v5 =	vld [tilespmem:s30+$0x10]  }
0x66: {  	v6 =	vld [tilespmem:s3+$0x0]  }
0x67: {  	v4 =	vld [tilespmem:s3+$0xFFFFFFF0]  }
0x68: {  	v7 =	vld [tilespmem:s3+$0xFFFFFFE0];
	v3 =	vmul.f32 $1.280000000e+02, v3  }
0x69: {  	v8 =	vld [tilespmem:s30+$0xFFFFFFE0]  }
0x6a: {  	v9 =	vshll.u32 v5, $0x4;
	v5 =	vld [tilespmem:s30+$0xFFFFFFF0];
	v3 =	vadd.f32 $8.388608000e+06, v3  }
0x6b: {  	v10 =	vmul.f32 $1.280000000e+02, v6;
	v6 =	vld [tilespmem:s30+$0x0]  }
0x6c: {  	v4 =	vmul.f32 $1.280000000e+02, v4;
	v3 =	vadd.s32 v3, v9  }
0x6d: {  	v9 =	vmul.f32 $1.280000000e+02, v7;
	v3 =	vadd.s32 v1, v3  }
0x6e: {  	s31 =	simm.s32 $0x0;
	s3 =	simm.s32 $0x60;
	v8 =	vshll.u32 v8, $0x4;
	v4 =	vadd.f32 $8.388608000e+06, v4;
	v7 =	vadd.f32 $8.388608000e+06, v10  }
.LBB2_2:
0x6f: {  	v10 =	vld [tilespmem:s3+$0x10];
	s31 =	sadd.s32 $0x4, s31;
	v9 =	vadd.f32 $8.388608000e+06, v9;
	v5 =	vshll.u32 v5, $0x4  }
0x70: {  	s30 =	sadd.s32 $0x40, s30;
	v11 =	vld [tilespmem:s3+$0xFFFFFFF0];
	p0 =	slt.u32 s31, $0x3FC;
	v4 =	vadd.s32 v4, v5;
	v5 =	vshll.u32 v6, $0x4  }
0x71: {  	v12 =	vld [tilespmem:s30+$0x10];
	v6 =	vadd.s32 v9, v8;
	v8 =	vadd.s32 v1, v4;
	v4 =	vadd.s32 v7, v5  }
0x72: {  	v7 =	vadd.s32 v1, v6;
	v13 =	vadd.s32 v1, v4;
	[tilespmem:v3+s26+$0x0] =	vst.idx.add.f32.msk $0xffff, v2  }
0x73: {  	v3 =	vld [tilespmem:s3+$0x0]  }
0x74: {  	v9 =	vld [tilespmem:s3+$0xFFFFFFE0];
	v4 =	vmul.f32 $1.280000000e+02, v10  }
0x75: {  	v10 =	vld [tilespmem:s30+$0xFFFFFFE0];
	v6 =	vmul.f32 $1.280000000e+02, v11  }
.Ltmp0:
0x76: {  	v5 =	vld [tilespmem:s30+$0xFFFFFFF0];
	v11 =	vadd.f32 $8.388608000e+06, v4;
	(pc) =	sbr.rel @p0 .LBB2_2-.Ltmp0, $4  }
0x77: {  	v12 =	vshll.u32 v12, $0x4;
	v4 =	vadd.f32 $8.388608000e+06, v6;
	v6 =	vld [tilespmem:s30+$0x0]  }
0x78: {  	v14 =	vmul.f32 $1.280000000e+02, v3;
	v3 =	vadd.s32 v11, v12;
	[tilespmem:v7+s26+$0x0] =	vst.idx.add.f32.msk $0xffff, v2  }
0x79: {  	v9 =	vmul.f32 $1.280000000e+02, v9;
	v3 =	vadd.s32 v1, v3;
	[tilespmem:v8+s26+$0x0] =	vst.idx.add.f32.msk $0xffff, v2  }
0x7a: {  	s3 =	sadd.s32 $0x40, s3;
	v8 =	vshll.u32 v10, $0x4;
	v7 =	vadd.f32 $8.388608000e+06, v14;
	[tilespmem:v13+s26+$0x0] =	vst.idx.add.f32.msk $0xffff, v2  }
0x7b: {  	v9 =	vadd.f32 $8.388608000e+06, v9;
	v5 =	vshll.u32 v5, $0x4  }
0x7c: {  	v4 =	vadd.s32 v4, v5  }
0x7d: {  	v5 =	vshll.u32 v6, $0x4;
	v8 =	vadd.s32 v9, v8;
	v4 =	vadd.s32 v1, v4  }
0x7e: {  	v5 =	vadd.s32 v7, v5;
	v6 =	vadd.s32 v1, v8  }
0x7f: {  	v5 =	vadd.s32 v1, v5;
	_ =	sdelay $0x1  }
0x80: {  	[tilespmem:v3+s26+$0x0] =	vst.idx.add.f32.msk $0xffff, v2  }
0x81: {  	[tilespmem:v4+s26+$0x0] =	vst.idx.add.f32.msk $0xffff, v2  }
0x82: {  	[tilespmem:v6+s26+$0x0] =	vst.idx.add.f32.msk $0xffff, v2  }
0x83: {  	[tilespmem:v5+s26+$0x0] =	vst.idx.add.f32.msk $0xffff, v2  }
0x84: {  	[tilespmem:s2], [sflag:$0x1] =	stream.linear.gather [hbm4b:s7+s2], $0x4000, $0x38;
	[tilespmem:$0x10400] =	vst v63  }
0x85: {  	_ = 	snop  }
0x86: {  	[tilespmem:s21], [sflag:$0x3] =	stream.linear.gather [hbm4b:s8+s2], $0x4000, $0x38;
	[tilespmem:$0x10400] =	vst v63  }
0x87: {  	_ =	swait.ge [sflag:s28], $0x4000  }
0x88: {  	[sflag:s28] =	ssyncset.done $0x0  }
0x89: {  	[sflag:s28] =	ssyncadd.s32 $0xFFFFC000  }
0x8a: {  	_ =	swait.ge [sflag:s29], $0x4000  }
0x8b: {  	[sflag:s29] =	ssyncset.done $0x0  }
0x8c: {  	s3 =	simm.s32 $0x4020;
	[sflag:s29] =	ssyncadd.s32 $0xFFFFC000  }
0x8d: {  	v3 =	vld [tilespmem:s3+$0x10]  }
0x8e: {  	s30 =	simm.s32 $0xC020  }
0x8f: {  	v5 =	vld [tilespmem:s30+$0x10]  }
0x90: {  	v6 =	vld [tilespmem:s3+$0x0]  }
0x91: {  	v4 =	vld [tilespmem:s3+$0xFFFFFFF0]  }
0x92: {  	v7 =	vld [tilespmem:s3+$0xFFFFFFE0];
	v3 =	vmul.f32 $1.280000000e+02, v3  }
0x93: {  	v8 =	vld [tilespmem:s30+$0xFFFFFFE0]  }
0x94: {  	v9 =	vshll.u32 v5, $0x4;
	v5 =	vld [tilespmem:s30+$0xFFFFFFF0];
	v3 =	vadd.f32 $8.388608000e+06, v3  }
0x95: {  	v10 =	vmul.f32 $1.280000000e+02, v6;
	v6 =	vld [tilespmem:s30+$0x0]  }
0x96: {  	v4 =	vmul.f32 $1.280000000e+02, v4;
	v3 =	vadd.s32 v3, v9  }
0x97: {  	v9 =	vmul.f32 $1.280000000e+02, v7;
	v3 =	vadd.s32 v1, v3  }
0x98: {  	s31 =	simm.s32 $0x0;
	s3 =	simm.s32 $0x4060;
	v8 =	vshll.u32 v8, $0x4;
	v4 =	vadd.f32 $8.388608000e+06, v4;
	v7 =	vadd.f32 $8.388608000e+06, v10  }
.LBB2_4:
0x99: {  	v10 =	vld [tilespmem:s3+$0x10];
	s31 =	sadd.s32 $0x4, s31;
	v9 =	vadd.f32 $8.388608000e+06, v9;
	v5 =	vshll.u32 v5, $0x4  }
0x9a: {  	s30 =	sadd.s32 $0x40, s30;
	v11 =	vld [tilespmem:s3+$0xFFFFFFF0];
	p0 =	slt.u32 s31, $0x3FC;
	v4 =	vadd.s32 v4, v5;
	v5 =	vshll.u32 v6, $0x4  }
0x9b: {  	v12 =	vld [tilespmem:s30+$0x10];
	v6 =	vadd.s32 v9, v8;
	v8 =	vadd.s32 v1, v4;
	v4 =	vadd.s32 v7, v5  }
0x9c: {  	v7 =	vadd.s32 v1, v6;
	v13 =	vadd.s32 v1, v4;
	[tilespmem:v3+s26+$0x0] =	vst.idx.add.f32.msk $0xffff, v2  }
0x9d: {  	v3 =	vld [tilespmem:s3+$0x0]  }
0x9e: {  	v9 =	vld [tilespmem:s3+$0xFFFFFFE0];
	v4 =	vmul.f32 $1.280000000e+02, v10  }
0x9f: {  	v10 =	vld [tilespmem:s30+$0xFFFFFFE0];
	v6 =	vmul.f32 $1.280000000e+02, v11  }
.Ltmp1:
0xa0: {  	v5 =	vld [tilespmem:s30+$0xFFFFFFF0];
	v11 =	vadd.f32 $8.388608000e+06, v4;
	(pc) =	sbr.rel @p0 .LBB2_4-.Ltmp1, $4  }
0xa1: {  	v12 =	vshll.u32 v12, $0x4;
	v4 =	vadd.f32 $8.388608000e+06, v6;
	v6 =	vld [tilespmem:s30+$0x0]  }
0xa2: {  	v14 =	vmul.f32 $1.280000000e+02, v3;
	v3 =	vadd.s32 v11, v12;
	[tilespmem:v7+s26+$0x0] =	vst.idx.add.f32.msk $0xffff, v2  }
0xa3: {  	v9 =	vmul.f32 $1.280000000e+02, v9;
	v3 =	vadd.s32 v1, v3;
	[tilespmem:v8+s26+$0x0] =	vst.idx.add.f32.msk $0xffff, v2  }
0xa4: {  	s3 =	sadd.s32 $0x40, s3;
	v8 =	vshll.u32 v10, $0x4;
	v7 =	vadd.f32 $8.388608000e+06, v14;
	[tilespmem:v13+s26+$0x0] =	vst.idx.add.f32.msk $0xffff, v2  }
0xa5: {  	v9 =	vadd.f32 $8.388608000e+06, v9;
	v5 =	vshll.u32 v5, $0x4  }
0xa6: {  	v4 =	vadd.s32 v4, v5  }
0xa7: {  	v5 =	vshll.u32 v6, $0x4;
	v8 =	vadd.s32 v9, v8;
	v4 =	vadd.s32 v1, v4  }
0xa8: {  	v5 =	vadd.s32 v7, v5;
	v6 =	vadd.s32 v1, v8  }
0xa9: {  	v5 =	vadd.s32 v1, v5;
	_ =	sdelay $0x1  }
0xaa: {  	[tilespmem:v3+s26+$0x0] =	vst.idx.add.f32.msk $0xffff, v2  }
0xab: {  	[tilespmem:v4+s26+$0x0] =	vst.idx.add.f32.msk $0xffff, v2  }
0xac: {  	[tilespmem:v6+s26+$0x0] =	vst.idx.add.f32.msk $0xffff, v2  }
0xad: {  	[tilespmem:v5+s26+$0x0] =	vst.idx.add.f32.msk $0xffff, v2  }
0xae: {  	[tilespmem:s22], [sflag:$0x2] =	stream.linear.gather [hbm4b:s9+s2], $0x4000, $0x38;
	[tilespmem:$0x10400] =	vst v63  }
0xaf: {  	_ = 	snop  }
0xb0: {  	[tilespmem:s23], [sflag:$0x4] =	stream.linear.gather [hbm4b:s10+s2], $0x4000, $0x38;
	[tilespmem:$0x10400] =	vst v63  }
0xb1: {  	_ =	swait.ge [sflag:s24], $0x4000  }
0xb2: {  	[sflag:s24] =	ssyncset.done $0x0  }
0xb3: {  	[sflag:s24] =	ssyncadd.s32 $0xFFFFC000  }
0xb4: {  	_ =	swait.ge [sflag:s25], $0x4000  }
0xb5: {  	[sflag:s25] =	ssyncset.done $0x0  }
0xb6: {  	s3 =	simm.s32 $0x20;
	[sflag:s25] =	ssyncadd.s32 $0xFFFFC000  }
0xb7: {  	v3 =	vld [tilespmem:s3+$0x10]  }
0xb8: {  	s30 =	simm.s32 $0x8020  }
0xb9: {  	v5 =	vld [tilespmem:s30+$0x10]  }
0xba: {  	v6 =	vld [tilespmem:s3+$0x0]  }
0xbb: {  	v4 =	vld [tilespmem:s3+$0xFFFFFFF0]  }
0xbc: {  	v7 =	vld [tilespmem:s3+$0xFFFFFFE0];
	v3 =	vmul.f32 $1.280000000e+02, v3  }
0xbd: {  	v8 =	vld [tilespmem:s30+$0xFFFFFFE0]  }
0xbe: {  	v9 =	vshll.u32 v5, $0x4;
	v5 =	vld [tilespmem:s30+$0xFFFFFFF0];
	v3 =	vadd.f32 $8.388608000e+06, v3  }
0xbf: {  	v10 =	vmul.f32 $1.280000000e+02, v6;
	v6 =	vld [tilespmem:s30+$0x0]  }
0xc0: {  	v4 =	vmul.f32 $1.280000000e+02, v4;
	v3 =	vadd.s32 v3, v9  }
0xc1: {  	v9 =	vmul.f32 $1.280000000e+02, v7;
	v3 =	vadd.s32 v1, v3  }
0xc2: {  	s31 =	simm.s32 $0x0;
	s3 =	simm.s32 $0x60;
	v8 =	vshll.u32 v8, $0x4;
	v4 =	vadd.f32 $8.388608000e+06, v4;
	v7 =	vadd.f32 $8.388608000e+06, v10  }
.LBB2_6:
0xc3: {  	v10 =	vld [tilespmem:s3+$0x10];
	s31 =	sadd.s32 $0x4, s31;
	v9 =	vadd.f32 $8.388608000e+06, v9;
	v5 =	vshll.u32 v5, $0x4  }
0xc4: {  	s30 =	sadd.s32 $0x40, s30;
	v11 =	vld [tilespmem:s3+$0xFFFFFFF0];
	p0 =	slt.u32 s31, $0x3FC;
	v4 =	vadd.s32 v4, v5;
	v5 =	vshll.u32 v6, $0x4  }
0xc5: {  	v12 =	vld [tilespmem:s30+$0x10];
	v6 =	vadd.s32 v9, v8;
	v8 =	vadd.s32 v1, v4;
	v4 =	vadd.s32 v7, v5  }
0xc6: {  	v7 =	vadd.s32 v1, v6;
	v13 =	vadd.s32 v1, v4;
	[tilespmem:v3+s26+$0x0] =	vst.idx.add.f32.msk $0xffff, v2  }
0xc7: {  	v3 =	vld [tilespmem:s3+$0x0]  }
0xc8: {  	v9 =	vld [tilespmem:s3+$0xFFFFFFE0];
	v4 =	vmul.f32 $1.280000000e+02, v10  }
0xc9: {  	v10 =	vld [tilespmem:s30+$0xFFFFFFE0];
	v6 =	vmul.f32 $1.280000000e+02, v11  }
.Ltmp2:
0xca: {  	v5 =	vld [tilespmem:s30+$0xFFFFFFF0];
	v11 =	vadd.f32 $8.388608000e+06, v4;
	(pc) =	sbr.rel @p0 .LBB2_6-.Ltmp2, $4  }
0xcb: {  	v12 =	vshll.u32 v12, $0x4;
	v4 =	vadd.f32 $8.388608000e+06, v6;
	v6 =	vld [tilespmem:s30+$0x0]  }
0xcc: {  	v14 =	vmul.f32 $1.280000000e+02, v3;
	v3 =	vadd.s32 v11, v12;
	[tilespmem:v7+s26+$0x0] =	vst.idx.add.f32.msk $0xffff, v2  }
0xcd: {  	v9 =	vmul.f32 $1.280000000e+02, v9;
	v3 =	vadd.s32 v1, v3;
	[tilespmem:v8+s26+$0x0] =	vst.idx.add.f32.msk $0xffff, v2  }
0xce: {  	s3 =	sadd.s32 $0x40, s3;
	v8 =	vshll.u32 v10, $0x4;
	v7 =	vadd.f32 $8.388608000e+06, v14;
	[tilespmem:v13+s26+$0x0] =	vst.idx.add.f32.msk $0xffff, v2  }
0xcf: {  	v9 =	vadd.f32 $8.388608000e+06, v9;
	v5 =	vshll.u32 v5, $0x4  }
0xd0: {  	v4 =	vadd.s32 v4, v5  }
0xd1: {  	v5 =	vshll.u32 v6, $0x4;
	v8 =	vadd.s32 v9, v8;
	v4 =	vadd.s32 v1, v4  }
0xd2: {  	v5 =	vadd.s32 v7, v5;
	v6 =	vadd.s32 v1, v8  }
0xd3: {  	v5 =	vadd.s32 v1, v5;
	_ =	sdelay $0x1  }
0xd4: {  	[tilespmem:v3+s26+$0x0] =	vst.idx.add.f32.msk $0xffff, v2  }
0xd5: {  	[tilespmem:v4+s26+$0x0] =	vst.idx.add.f32.msk $0xffff, v2  }
0xd6: {  	[tilespmem:v6+s26+$0x0] =	vst.idx.add.f32.msk $0xffff, v2  }
0xd7: {  	[tilespmem:v5+s26+$0x0] =	vst.idx.add.f32.msk $0xffff, v2  }
0xd8: {  	[tilespmem:s2], [sflag:$0x1] =	stream.linear.gather [hbm4b:s11+s2], $0x4000, $0x38;
	[tilespmem:$0x10400] =	vst v63  }
0xd9: {  	_ = 	snop  }
0xda: {  	[tilespmem:s21], [sflag:$0x3] =	stream.linear.gather [hbm4b:s12+s2], $0x4000, $0x38;
	[tilespmem:$0x10400] =	vst v63  }
0xdb: {  	_ =	swait.ge [sflag:s28], $0x4000  }
0xdc: {  	[sflag:s28] =	ssyncset.done $0x0  }
0xdd: {  	[sflag:s28] =	ssyncadd.s32 $0xFFFFC000  }
0xde: {  	_ =	swait.ge [sflag:s29], $0x4000  }
0xdf: {  	[sflag:s29] =	ssyncset.done $0x0  }
0xe0: {  	s3 =	simm.s32 $0x4020;
	[sflag:s29] =	ssyncadd.s32 $0xFFFFC000  }
0xe1: {  	v3 =	vld [tilespmem:s3+$0x10]  }
0xe2: {  	s30 =	simm.s32 $0xC020  }
0xe3: {  	v5 =	vld [tilespmem:s30+$0x10]  }
0xe4: {  	v6 =	vld [tilespmem:s3+$0x0]  }
0xe5: {  	v4 =	vld [tilespmem:s3+$0xFFFFFFF0]  }
0xe6: {  	v7 =	vld [tilespmem:s3+$0xFFFFFFE0];
	v3 =	vmul.f32 $1.280000000e+02, v3  }
0xe7: {  	v8 =	vld [tilespmem:s30+$0xFFFFFFE0]  }
0xe8: {  	v9 =	vshll.u32 v5, $0x4;
	v5 =	vld [tilespmem:s30+$0xFFFFFFF0];
	v3 =	vadd.f32 $8.388608000e+06, v3  }
0xe9: {  	v10 =	vmul.f32 $1.280000000e+02, v6;
	v6 =	vld [tilespmem:s30+$0x0]  }
0xea: {  	v4 =	vmul.f32 $1.280000000e+02, v4;
	v3 =	vadd.s32 v3, v9  }
0xeb: {  	v9 =	vmul.f32 $1.280000000e+02, v7;
	v3 =	vadd.s32 v1, v3  }
0xec: {  	s31 =	simm.s32 $0x0;
	s3 =	simm.s32 $0x4060;
	v8 =	vshll.u32 v8, $0x4;
	v4 =	vadd.f32 $8.388608000e+06, v4;
	v7 =	vadd.f32 $8.388608000e+06, v10  }
.LBB2_8:
0xed: {  	v10 =	vld [tilespmem:s3+$0x10];
	s31 =	sadd.s32 $0x4, s31;
	v9 =	vadd.f32 $8.388608000e+06, v9;
	v5 =	vshll.u32 v5, $0x4  }
0xee: {  	s30 =	sadd.s32 $0x40, s30;
	v11 =	vld [tilespmem:s3+$0xFFFFFFF0];
	p0 =	slt.u32 s31, $0x3FC;
	v4 =	vadd.s32 v4, v5;
	v5 =	vshll.u32 v6, $0x4  }
0xef: {  	v12 =	vld [tilespmem:s30+$0x10];
	v6 =	vadd.s32 v9, v8;
	v8 =	vadd.s32 v1, v4;
	v4 =	vadd.s32 v7, v5  }
0xf0: {  	v7 =	vadd.s32 v1, v6;
	v13 =	vadd.s32 v1, v4;
	[tilespmem:v3+s26+$0x0] =	vst.idx.add.f32.msk $0xffff, v2  }
0xf1: {  	v3 =	vld [tilespmem:s3+$0x0]  }
0xf2: {  	v9 =	vld [tilespmem:s3+$0xFFFFFFE0];
	v4 =	vmul.f32 $1.280000000e+02, v10  }
0xf3: {  	v10 =	vld [tilespmem:s30+$0xFFFFFFE0];
	v6 =	vmul.f32 $1.280000000e+02, v11  }
.Ltmp3:
0xf4: {  	v5 =	vld [tilespmem:s30+$0xFFFFFFF0];
	v11 =	vadd.f32 $8.388608000e+06, v4;
	(pc) =	sbr.rel @p0 .LBB2_8-.Ltmp3, $4  }
0xf5: {  	v12 =	vshll.u32 v12, $0x4;
	v4 =	vadd.f32 $8.388608000e+06, v6;
	v6 =	vld [tilespmem:s30+$0x0]  }
0xf6: {  	v14 =	vmul.f32 $1.280000000e+02, v3;
	v3 =	vadd.s32 v11, v12;
	[tilespmem:v7+s26+$0x0] =	vst.idx.add.f32.msk $0xffff, v2  }
0xf7: {  	v9 =	vmul.f32 $1.280000000e+02, v9;
	v3 =	vadd.s32 v1, v3;
	[tilespmem:v8+s26+$0x0] =	vst.idx.add.f32.msk $0xffff, v2  }
0xf8: {  	s3 =	sadd.s32 $0x40, s3;
	v8 =	vshll.u32 v10, $0x4;
	v7 =	vadd.f32 $8.388608000e+06, v14;
	[tilespmem:v13+s26+$0x0] =	vst.idx.add.f32.msk $0xffff, v2  }
0xf9: {  	v9 =	vadd.f32 $8.388608000e+06, v9;
	v5 =	vshll.u32 v5, $0x4  }
0xfa: {  	v4 =	vadd.s32 v4, v5  }
0xfb: {  	v5 =	vshll.u32 v6, $0x4;
	v8 =	vadd.s32 v9, v8;
	v4 =	vadd.s32 v1, v4  }
0xfc: {  	v5 =	vadd.s32 v7, v5;
	v6 =	vadd.s32 v1, v8  }
0xfd: {  	v5 =	vadd.s32 v1, v5;
	_ =	sdelay $0x1  }
0xfe: {  	[tilespmem:v3+s26+$0x0] =	vst.idx.add.f32.msk $0xffff, v2  }
0xff: {  	[tilespmem:v4+s26+$0x0] =	vst.idx.add.f32.msk $0xffff, v2  }
0x100: {  	[tilespmem:v6+s26+$0x0] =	vst.idx.add.f32.msk $0xffff, v2  }
0x101: {  	[tilespmem:v5+s26+$0x0] =	vst.idx.add.f32.msk $0xffff, v2  }
0x102: {  	[tilespmem:s22], [sflag:$0x2] =	stream.linear.gather [hbm4b:s13+s2], $0x4000, $0x38;
	[tilespmem:$0x10400] =	vst v63  }
0x103: {  	_ = 	snop  }
0x104: {  	[tilespmem:s23], [sflag:$0x4] =	stream.linear.gather [hbm4b:s14+s2], $0x4000, $0x38;
	[tilespmem:$0x10400] =	vst v63  }
0x105: {  	_ =	swait.ge [sflag:s24], $0x4000  }
0x106: {  	[sflag:s24] =	ssyncset.done $0x0  }
0x107: {  	[sflag:s24] =	ssyncadd.s32 $0xFFFFC000  }
0x108: {  	_ =	swait.ge [sflag:s25], $0x4000  }
0x109: {  	[sflag:s25] =	ssyncset.done $0x0  }
0x10a: {  	s3 =	simm.s32 $0x20;
	[sflag:s25] =	ssyncadd.s32 $0xFFFFC000  }
0x10b: {  	v3 =	vld [tilespmem:s3+$0x10]  }
0x10c: {  	s30 =	simm.s32 $0x8020  }
0x10d: {  	v5 =	vld [tilespmem:s30+$0x10]  }
0x10e: {  	v6 =	vld [tilespmem:s3+$0x0]  }
0x10f: {  	v4 =	vld [tilespmem:s3+$0xFFFFFFF0]  }
0x110: {  	v7 =	vld [tilespmem:s3+$0xFFFFFFE0];
	v3 =	vmul.f32 $1.280000000e+02, v3  }
0x111: {  	v8 =	vld [tilespmem:s30+$0xFFFFFFE0]  }
0x112: {  	v9 =	vshll.u32 v5, $0x4;
	v5 =	vld [tilespmem:s30+$0xFFFFFFF0];
	v3 =	vadd.f32 $8.388608000e+06, v3  }
0x113: {  	v10 =	vmul.f32 $1.280000000e+02, v6;
	v6 =	vld [tilespmem:s30+$0x0]  }
0x114: {  	v4 =	vmul.f32 $1.280000000e+02, v4;
	v3 =	vadd.s32 v3, v9  }
0x115: {  	v9 =	vmul.f32 $1.280000000e+02, v7;
	v3 =	vadd.s32 v1, v3  }
0x116: {  	s31 =	simm.s32 $0x0;
	s3 =	simm.s32 $0x60;
	v8 =	vshll.u32 v8, $0x4;
	v4 =	vadd.f32 $8.388608000e+06, v4;
	v7 =	vadd.f32 $8.388608000e+06, v10  }
.LBB2_10:
0x117: {  	v10 =	vld [tilespmem:s3+$0x10];
	s31 =	sadd.s32 $0x4, s31;
	v9 =	vadd.f32 $8.388608000e+06, v9;
	v5 =	vshll.u32 v5, $0x4  }
0x118: {  	s30 =	sadd.s32 $0x40, s30;
	v11 =	vld [tilespmem:s3+$0xFFFFFFF0];
	p0 =	slt.u32 s31, $0x3FC;
	v4 =	vadd.s32 v4, v5;
	v5 =	vshll.u32 v6, $0x4  }
0x119: {  	v12 =	vld [tilespmem:s30+$0x10];
	v6 =	vadd.s32 v9, v8;
	v8 =	vadd.s32 v1, v4;
	v4 =	vadd.s32 v7, v5  }
0x11a: {  	v7 =	vadd.s32 v1, v6;
	v13 =	vadd.s32 v1, v4;
	[tilespmem:v3+s26+$0x0] =	vst.idx.add.f32.msk $0xffff, v2  }
0x11b: {  	v3 =	vld [tilespmem:s3+$0x0]  }
0x11c: {  	v9 =	vld [tilespmem:s3+$0xFFFFFFE0];
	v4 =	vmul.f32 $1.280000000e+02, v10  }
0x11d: {  	v10 =	vld [tilespmem:s30+$0xFFFFFFE0];
	v6 =	vmul.f32 $1.280000000e+02, v11  }
.Ltmp4:
0x11e: {  	v5 =	vld [tilespmem:s30+$0xFFFFFFF0];
	v11 =	vadd.f32 $8.388608000e+06, v4;
	(pc) =	sbr.rel @p0 .LBB2_10-.Ltmp4, $4  }
0x11f: {  	v12 =	vshll.u32 v12, $0x4;
	v4 =	vadd.f32 $8.388608000e+06, v6;
	v6 =	vld [tilespmem:s30+$0x0]  }
0x120: {  	v14 =	vmul.f32 $1.280000000e+02, v3;
	v3 =	vadd.s32 v11, v12;
	[tilespmem:v7+s26+$0x0] =	vst.idx.add.f32.msk $0xffff, v2  }
0x121: {  	v9 =	vmul.f32 $1.280000000e+02, v9;
	v3 =	vadd.s32 v1, v3;
	[tilespmem:v8+s26+$0x0] =	vst.idx.add.f32.msk $0xffff, v2  }
0x122: {  	s3 =	sadd.s32 $0x40, s3;
	v8 =	vshll.u32 v10, $0x4;
	v7 =	vadd.f32 $8.388608000e+06, v14;
	[tilespmem:v13+s26+$0x0] =	vst.idx.add.f32.msk $0xffff, v2  }
0x123: {  	v9 =	vadd.f32 $8.388608000e+06, v9;
	v5 =	vshll.u32 v5, $0x4  }
0x124: {  	v4 =	vadd.s32 v4, v5  }
0x125: {  	v5 =	vshll.u32 v6, $0x4;
	v8 =	vadd.s32 v9, v8;
	v4 =	vadd.s32 v1, v4  }
0x126: {  	v5 =	vadd.s32 v7, v5;
	v6 =	vadd.s32 v1, v8  }
0x127: {  	v5 =	vadd.s32 v1, v5;
	_ =	sdelay $0x1  }
0x128: {  	[tilespmem:v3+s26+$0x0] =	vst.idx.add.f32.msk $0xffff, v2  }
0x129: {  	[tilespmem:v4+s26+$0x0] =	vst.idx.add.f32.msk $0xffff, v2  }
0x12a: {  	[tilespmem:v6+s26+$0x0] =	vst.idx.add.f32.msk $0xffff, v2  }
0x12b: {  	[tilespmem:v5+s26+$0x0] =	vst.idx.add.f32.msk $0xffff, v2  }
0x12c: {  	[tilespmem:s2], [sflag:$0x1] =	stream.linear.gather [hbm4b:s15+s2], $0x4000, $0x38;
	[tilespmem:$0x10400] =	vst v63  }
0x12d: {  	_ = 	snop  }
0x12e: {  	[tilespmem:s21], [sflag:$0x3] =	stream.linear.gather [hbm4b:s16+s2], $0x4000, $0x38;
	[tilespmem:$0x10400] =	vst v63  }
0x12f: {  	_ =	swait.ge [sflag:s28], $0x4000  }
0x130: {  	[sflag:s28] =	ssyncset.done $0x0  }
0x131: {  	[sflag:s28] =	ssyncadd.s32 $0xFFFFC000  }
0x132: {  	_ =	swait.ge [sflag:s29], $0x4000  }
0x133: {  	[sflag:s29] =	ssyncset.done $0x0  }
0x134: {  	s3 =	simm.s32 $0x4020;
	[sflag:s29] =	ssyncadd.s32 $0xFFFFC000  }
0x135: {  	v3 =	vld [tilespmem:s3+$0x10]  }
0x136: {  	s30 =	simm.s32 $0xC020  }
0x137: {  	v5 =	vld [tilespmem:s30+$0x10]  }
0x138: {  	v6 =	vld [tilespmem:s3+$0x0]  }
0x139: {  	v4 =	vld [tilespmem:s3+$0xFFFFFFF0]  }
0x13a: {  	v7 =	vld [tilespmem:s3+$0xFFFFFFE0];
	v3 =	vmul.f32 $1.280000000e+02, v3  }
0x13b: {  	v8 =	vld [tilespmem:s30+$0xFFFFFFE0]  }
0x13c: {  	v9 =	vshll.u32 v5, $0x4;
	v5 =	vld [tilespmem:s30+$0xFFFFFFF0];
	v3 =	vadd.f32 $8.388608000e+06, v3  }
0x13d: {  	v10 =	vmul.f32 $1.280000000e+02, v6;
	v6 =	vld [tilespmem:s30+$0x0]  }
0x13e: {  	v4 =	vmul.f32 $1.280000000e+02, v4;
	v3 =	vadd.s32 v3, v9  }
0x13f: {  	v9 =	vmul.f32 $1.280000000e+02, v7;
	v3 =	vadd.s32 v1, v3  }
0x140: {  	s31 =	simm.s32 $0x0;
	s3 =	simm.s32 $0x4060;
	v8 =	vshll.u32 v8, $0x4;
	v4 =	vadd.f32 $8.388608000e+06, v4;
	v7 =	vadd.f32 $8.388608000e+06, v10  }
.LBB2_12:
0x141: {  	v10 =	vld [tilespmem:s3+$0x10];
	s31 =	sadd.s32 $0x4, s31;
	v9 =	vadd.f32 $8.388608000e+06, v9;
	v5 =	vshll.u32 v5, $0x4  }
0x142: {  	s30 =	sadd.s32 $0x40, s30;
	v11 =	vld [tilespmem:s3+$0xFFFFFFF0];
	p0 =	slt.u32 s31, $0x3FC;
	v4 =	vadd.s32 v4, v5;
	v5 =	vshll.u32 v6, $0x4  }
0x143: {  	v12 =	vld [tilespmem:s30+$0x10];
	v6 =	vadd.s32 v9, v8;
	v8 =	vadd.s32 v1, v4;
	v4 =	vadd.s32 v7, v5  }
0x144: {  	v7 =	vadd.s32 v1, v6;
	v13 =	vadd.s32 v1, v4;
	[tilespmem:v3+s26+$0x0] =	vst.idx.add.f32.msk $0xffff, v2  }
0x145: {  	v3 =	vld [tilespmem:s3+$0x0]  }
0x146: {  	v9 =	vld [tilespmem:s3+$0xFFFFFFE0];
	v4 =	vmul.f32 $1.280000000e+02, v10  }
0x147: {  	v10 =	vld [tilespmem:s30+$0xFFFFFFE0];
	v6 =	vmul.f32 $1.280000000e+02, v11  }
.Ltmp5:
0x148: {  	v5 =	vld [tilespmem:s30+$0xFFFFFFF0];
	v11 =	vadd.f32 $8.388608000e+06, v4;
	(pc) =	sbr.rel @p0 .LBB2_12-.Ltmp5, $4  }
0x149: {  	v12 =	vshll.u32 v12, $0x4;
	v4 =	vadd.f32 $8.388608000e+06, v6;
	v6 =	vld [tilespmem:s30+$0x0]  }
0x14a: {  	v14 =	vmul.f32 $1.280000000e+02, v3;
	v3 =	vadd.s32 v11, v12;
	[tilespmem:v7+s26+$0x0] =	vst.idx.add.f32.msk $0xffff, v2  }
0x14b: {  	v9 =	vmul.f32 $1.280000000e+02, v9;
	v3 =	vadd.s32 v1, v3;
	[tilespmem:v8+s26+$0x0] =	vst.idx.add.f32.msk $0xffff, v2  }
0x14c: {  	s3 =	sadd.s32 $0x40, s3;
	v8 =	vshll.u32 v10, $0x4;
	v7 =	vadd.f32 $8.388608000e+06, v14;
	[tilespmem:v13+s26+$0x0] =	vst.idx.add.f32.msk $0xffff, v2  }
0x14d: {  	v9 =	vadd.f32 $8.388608000e+06, v9;
	v5 =	vshll.u32 v5, $0x4  }
0x14e: {  	v4 =	vadd.s32 v4, v5  }
0x14f: {  	v5 =	vshll.u32 v6, $0x4;
	v8 =	vadd.s32 v9, v8;
	v4 =	vadd.s32 v1, v4  }
0x150: {  	v5 =	vadd.s32 v7, v5;
	v6 =	vadd.s32 v1, v8  }
0x151: {  	v5 =	vadd.s32 v1, v5;
	_ =	sdelay $0x1  }
0x152: {  	[tilespmem:v3+s26+$0x0] =	vst.idx.add.f32.msk $0xffff, v2  }
0x153: {  	[tilespmem:v4+s26+$0x0] =	vst.idx.add.f32.msk $0xffff, v2  }
0x154: {  	[tilespmem:v6+s26+$0x0] =	vst.idx.add.f32.msk $0xffff, v2  }
0x155: {  	[tilespmem:v5+s26+$0x0] =	vst.idx.add.f32.msk $0xffff, v2  }
0x156: {  	[tilespmem:s22], [sflag:$0x2] =	stream.linear.gather [hbm4b:s17+s2], $0x4000, $0x38;
	[tilespmem:$0x10400] =	vst v63  }
0x157: {  	_ = 	snop  }
0x158: {  	[tilespmem:s23], [sflag:$0x4] =	stream.linear.gather [hbm4b:s18+s2], $0x4000, $0x38;
	[tilespmem:$0x10400] =	vst v63  }
0x159: {  	_ =	swait.ge [sflag:s24], $0x4000  }
0x15a: {  	[sflag:s24] =	ssyncset.done $0x0  }
0x15b: {  	[sflag:s24] =	ssyncadd.s32 $0xFFFFC000  }
0x15c: {  	_ =	swait.ge [sflag:s25], $0x4000  }
0x15d: {  	[sflag:s25] =	ssyncset.done $0x0  }
0x15e: {  	s3 =	simm.s32 $0x20;
	[sflag:s25] =	ssyncadd.s32 $0xFFFFC000  }
0x15f: {  	v3 =	vld [tilespmem:s3+$0x10]  }
0x160: {  	s30 =	simm.s32 $0x8020  }
0x161: {  	v5 =	vld [tilespmem:s30+$0x10]  }
0x162: {  	v6 =	vld [tilespmem:s3+$0x0]  }
0x163: {  	v4 =	vld [tilespmem:s3+$0xFFFFFFF0]  }
0x164: {  	v7 =	vld [tilespmem:s3+$0xFFFFFFE0];
	v3 =	vmul.f32 $1.280000000e+02, v3  }
0x165: {  	v8 =	vld [tilespmem:s30+$0xFFFFFFE0]  }
0x166: {  	v9 =	vshll.u32 v5, $0x4;
	v5 =	vld [tilespmem:s30+$0xFFFFFFF0];
	v3 =	vadd.f32 $8.388608000e+06, v3  }
0x167: {  	v10 =	vmul.f32 $1.280000000e+02, v6;
	v6 =	vld [tilespmem:s30+$0x0]  }
0x168: {  	v4 =	vmul.f32 $1.280000000e+02, v4;
	v3 =	vadd.s32 v3, v9  }
0x169: {  	v9 =	vmul.f32 $1.280000000e+02, v7;
	v3 =	vadd.s32 v1, v3  }
0x16a: {  	s31 =	simm.s32 $0x0;
	s3 =	simm.s32 $0x60;
	v8 =	vshll.u32 v8, $0x4;
	v4 =	vadd.f32 $8.388608000e+06, v4;
	v7 =	vadd.f32 $8.388608000e+06, v10  }
.LBB2_14:
0x16b: {  	v10 =	vld [tilespmem:s3+$0x10];
	s31 =	sadd.s32 $0x4, s31;
	v9 =	vadd.f32 $8.388608000e+06, v9;
	v5 =	vshll.u32 v5, $0x4  }
0x16c: {  	s30 =	sadd.s32 $0x40, s30;
	v11 =	vld [tilespmem:s3+$0xFFFFFFF0];
	p0 =	slt.u32 s31, $0x3FC;
	v4 =	vadd.s32 v4, v5;
	v5 =	vshll.u32 v6, $0x4  }
0x16d: {  	v12 =	vld [tilespmem:s30+$0x10];
	v6 =	vadd.s32 v9, v8;
	v8 =	vadd.s32 v1, v4;
	v4 =	vadd.s32 v7, v5  }
0x16e: {  	v7 =	vadd.s32 v1, v6;
	v13 =	vadd.s32 v1, v4;
	[tilespmem:v3+s26+$0x0] =	vst.idx.add.f32.msk $0xffff, v2  }
0x16f: {  	v3 =	vld [tilespmem:s3+$0x0]  }
0x170: {  	v9 =	vld [tilespmem:s3+$0xFFFFFFE0];
	v4 =	vmul.f32 $1.280000000e+02, v10  }
0x171: {  	v10 =	vld [tilespmem:s30+$0xFFFFFFE0];
	v6 =	vmul.f32 $1.280000000e+02, v11  }
.Ltmp6:
0x172: {  	v5 =	vld [tilespmem:s30+$0xFFFFFFF0];
	v11 =	vadd.f32 $8.388608000e+06, v4;
	(pc) =	sbr.rel @p0 .LBB2_14-.Ltmp6, $4  }
0x173: {  	v12 =	vshll.u32 v12, $0x4;
	v4 =	vadd.f32 $8.388608000e+06, v6;
	v6 =	vld [tilespmem:s30+$0x0]  }
0x174: {  	v14 =	vmul.f32 $1.280000000e+02, v3;
	v3 =	vadd.s32 v11, v12;
	[tilespmem:v7+s26+$0x0] =	vst.idx.add.f32.msk $0xffff, v2  }
0x175: {  	v9 =	vmul.f32 $1.280000000e+02, v9;
	v3 =	vadd.s32 v1, v3;
	[tilespmem:v8+s26+$0x0] =	vst.idx.add.f32.msk $0xffff, v2  }
0x176: {  	s3 =	sadd.s32 $0x40, s3;
	v8 =	vshll.u32 v10, $0x4;
	v7 =	vadd.f32 $8.388608000e+06, v14;
	[tilespmem:v13+s26+$0x0] =	vst.idx.add.f32.msk $0xffff, v2  }
0x177: {  	v9 =	vadd.f32 $8.388608000e+06, v9;
	v5 =	vshll.u32 v5, $0x4  }
0x178: {  	v4 =	vadd.s32 v4, v5  }
0x179: {  	v5 =	vshll.u32 v6, $0x4;
	v8 =	vadd.s32 v9, v8;
	v4 =	vadd.s32 v1, v4  }
0x17a: {  	v5 =	vadd.s32 v7, v5;
	v6 =	vadd.s32 v1, v8  }
0x17b: {  	v5 =	vadd.s32 v1, v5;
	_ =	sdelay $0x1  }
0x17c: {  	[tilespmem:v3+s26+$0x0] =	vst.idx.add.f32.msk $0xffff, v2  }
0x17d: {  	[tilespmem:v4+s26+$0x0] =	vst.idx.add.f32.msk $0xffff, v2  }
0x17e: {  	[tilespmem:v6+s26+$0x0] =	vst.idx.add.f32.msk $0xffff, v2  }
0x17f: {  	[tilespmem:v5+s26+$0x0] =	vst.idx.add.f32.msk $0xffff, v2  }
0x180: {  	_ =	swait.ge [sflag:s28], $0x4000  }
0x181: {  	[sflag:s28] =	ssyncset.done $0x0  }
0x182: {  	[sflag:s28] =	ssyncadd.s32 $0xFFFFC000  }
0x183: {  	_ =	swait.ge [sflag:s29], $0x4000  }
0x184: {  	[sflag:s29] =	ssyncset.done $0x0  }
0x185: {  	s3 =	simm.s32 $0x4020;
	[sflag:s29] =	ssyncadd.s32 $0xFFFFC000  }
0x186: {  	v3 =	vld [tilespmem:s3+$0x10]  }
0x187: {  	s30 =	simm.s32 $0xC020  }
0x188: {  	v5 =	vld [tilespmem:s30+$0x10]  }
0x189: {  	v6 =	vld [tilespmem:s3+$0x0]  }
0x18a: {  	v4 =	vld [tilespmem:s3+$0xFFFFFFF0]  }
0x18b: {  	v7 =	vld [tilespmem:s3+$0xFFFFFFE0];
	v3 =	vmul.f32 $1.280000000e+02, v3  }
0x18c: {  	v8 =	vld [tilespmem:s30+$0xFFFFFFE0]  }
0x18d: {  	v9 =	vshll.u32 v5, $0x4;
	v5 =	vld [tilespmem:s30+$0xFFFFFFF0];
	v3 =	vadd.f32 $8.388608000e+06, v3  }
0x18e: {  	v10 =	vmul.f32 $1.280000000e+02, v6;
	v6 =	vld [tilespmem:s30+$0x0]  }
0x18f: {  	v4 =	vmul.f32 $1.280000000e+02, v4;
	v3 =	vadd.s32 v3, v9  }
0x190: {  	v9 =	vmul.f32 $1.280000000e+02, v7;
	v3 =	vadd.s32 v1, v3  }
0x191: {  	s31 =	simm.s32 $0x0;
	s3 =	simm.s32 $0x4060;
	v8 =	vshll.u32 v8, $0x4;
	v4 =	vadd.f32 $8.388608000e+06, v4;
	v7 =	vadd.f32 $8.388608000e+06, v10  }
.LBB2_16:
0x192: {  	v10 =	vld [tilespmem:s3+$0x10];
	s31 =	sadd.s32 $0x4, s31;
	v9 =	vadd.f32 $8.388608000e+06, v9;
	v5 =	vshll.u32 v5, $0x4  }
0x193: {  	s30 =	sadd.s32 $0x40, s30;
	v11 =	vld [tilespmem:s3+$0xFFFFFFF0];
	p0 =	slt.u32 s31, $0x3FC;
	v4 =	vadd.s32 v4, v5;
	v5 =	vshll.u32 v6, $0x4  }
0x194: {  	v12 =	vld [tilespmem:s30+$0x10];
	v6 =	vadd.s32 v9, v8;
	v8 =	vadd.s32 v1, v4;
	v4 =	vadd.s32 v7, v5  }
0x195: {  	v7 =	vadd.s32 v1, v6;
	v13 =	vadd.s32 v1, v4;
	[tilespmem:v3+s26+$0x0] =	vst.idx.add.f32.msk $0xffff, v2  }
0x196: {  	v3 =	vld [tilespmem:s3+$0x0]  }
0x197: {  	v9 =	vld [tilespmem:s3+$0xFFFFFFE0];
	v4 =	vmul.f32 $1.280000000e+02, v10  }
0x198: {  	v10 =	vld [tilespmem:s30+$0xFFFFFFE0];
	v6 =	vmul.f32 $1.280000000e+02, v11  }
.Ltmp7:
0x199: {  	v5 =	vld [tilespmem:s30+$0xFFFFFFF0];
	v11 =	vadd.f32 $8.388608000e+06, v4;
	(pc) =	sbr.rel @p0 .LBB2_16-.Ltmp7, $4  }
0x19a: {  	v12 =	vshll.u32 v12, $0x4;
	v4 =	vadd.f32 $8.388608000e+06, v6;
	v6 =	vld [tilespmem:s30+$0x0]  }
0x19b: {  	v14 =	vmul.f32 $1.280000000e+02, v3;
	v3 =	vadd.s32 v11, v12;
	[tilespmem:v7+s26+$0x0] =	vst.idx.add.f32.msk $0xffff, v2  }
0x19c: {  	v9 =	vmul.f32 $1.280000000e+02, v9;
	v3 =	vadd.s32 v1, v3;
	[tilespmem:v8+s26+$0x0] =	vst.idx.add.f32.msk $0xffff, v2  }
0x19d: {  	s3 =	sadd.s32 $0x40, s3;
	v8 =	vshll.u32 v10, $0x4;
	v7 =	vadd.f32 $8.388608000e+06, v14;
	[tilespmem:v13+s26+$0x0] =	vst.idx.add.f32.msk $0xffff, v2  }
0x19e: {  	v9 =	vadd.f32 $8.388608000e+06, v9;
	v5 =	vshll.u32 v5, $0x4  }
0x19f: {  	v4 =	vadd.s32 v4, v5  }
0x1a0: {  	v62 =	vshll.u32 v6, $0x4;
	v8 =	vadd.s32 v9, v8;
	v4 =	vadd.s32 v1, v4  }
0x1a1: {  	v5 =	vadd.s32 v7, v62;
	v63 =	vadd.s32 v1, v8  }
0x1a2: {  	v5 =	vadd.s32 v1, v5;
	_ =	sdelay $0x1  }
0x1a3: {  	[tilespmem:v3+s26+$0x0] =	vst.idx.add.f32.msk $0xffff, v2  }
0x1a4: {  	s1 =	sadd.s32 $0x1, s1;
	[tilespmem:v4+s26+$0x0] =	vst.idx.add.f32.msk $0xffff, v2  }
0x1a5: {  	p0 =	sne.s32 s1, s20;
	[tilespmem:v63+s26+$0x0] =	vst.idx.add.f32.msk $0xffff, v2  }
.Ltmp8:
0x1a6: {  	s3 =	simm.s32 $0x80;
	s30 =	simm.s32 $0x400;
	[tilespmem:v5+s26+$0x0] =	vst.idx.add.f32.msk $0xffff, v2;
	(pc) =	sbr.rel @p0 .LBB2_1-.Ltmp8, $4  }
0x1a7: {  	[hbm4b:s19+s3] =	stream.strided.scatter [tilespmem:s26], [sflag:$0x5], $0x400, s30, s3, $0x38;
	[tilespmem:$0x10400] =	vst v63  }
0x1a8: {  	_ =	swait.ge [sflag:s0], $0x400  }
0x1a9: {  	[sflag:s0] =	ssyncset.done $0x0  }
0x1aa: {  	[sflag:s0] =	ssyncadd.s32 $0xFFFFFC00  }
0x1ab: {  	_ =	sfence.sel $0x180000  }
0x1ac: {  	[bflag:$0x0] =	sbarrier.arrive $0xFFFF  }
0x1ad: {  	_ =	strace $0x90000047  }
0x1ae: {  	s0 =	stileid.u32;
	[bflag:$0x2] =	sbarrier.arrive $0xFFFF  }
0x1af: {  	p0 =	sne.s32 s0, $0x0;
	s0 =	rddreg [dreg:$0x3]  }
0x1b0: {  	s0 =	sadd.s32 @!p0 $0x100000, s0  }
0x1b1: {  	[sflag:s0] =	ssyncadd.tile.s32 @!p0 $0x1;
	_ =	shalt  }
.Lfunc_end2:
_tile_overlayer_lowered:
.L_overlay_start_2:
0x1b2: {  	(tag) =	ssettag $0x2  }
0x1b3: {  	s0 =	rddreg [dreg:$0x0];
	s2 =	stileid.u32  }
0x1b4: {  	s1 =	rddreg [dreg:$0x1];
	p0 =	sne.s32 s2, $0x0  }
0x1b5: {  	s3 =	rddreg [dreg:$0x2];
	[bflag:$0x3] =	sbarrier.arrive $0xFFFF;
	s2 =	simm.s32 @!p0 $0x1C05  }
0x1b6: {  	[timem:s3], [sflag:s2] =	dma.local @!p0 [hbm:s0], s1  }
0x1b7: {  	s0 =	simm.s32 @!p0 $0x5  }
0x1b8: {  	_ =	swait.ge @!p0 [sflag:s0], s1  }
0x1b9: {  	s1 =	ssub.s32 @!p0 $0x0, s1;
	[sflag:s0] =	ssyncset.done @!p0 $0x0  }
0x1ba: {  	[sflag:s0] =	ssyncadd.s32 @!p0 s1  }
0x1bb: {  	[bflag:$0x3] =	sbarrier.arrive $0xFFFF  }
0x1bc: {  	_ =	shalt  }

</sc_bundles>
